<compile_context>
chip_gen: v7x
topology: tpu7x:2x2x1
jax: 0.10.2.dev20260603
libtpu: 0.0.44.dev20260713+nightly
codegen_flags: <defaults>
</compile_context>

<pallas_src>
import functools

import jax
import jax.numpy as jnp
from jax import lax
from jax.experimental import pallas as pl
from jax.experimental.pallas import tpu as pltpu
from jax.experimental.pallas import tpu_sc as plsc

_N = 10000
_E = 320000
_D = 128
_ED = 16
_DH = _D // 2

_NC = 2
_NS = 16
_EP = 327680
_NPAD = 10240
_EPT = _EP // _NS
_CHUNK = 128
_KCH = _EPT // _CHUNK
_BBLK = 20
_NBLK = _KCH // _BBLK
_RPT = _NPAD // _NS
_ZR = 32
_WR = 632
_WT = _N - (_NS - 1) * _WR
_FVH = _DH // 16



def _edge_proj_body(ea_ref, w2_ref, be2_ref, out_ref):
    for cc in range(_NC):
        out_ref[cc] = (
            jnp.dot(ea_ref[...], w2_ref[cc],
                    preferred_element_type=jnp.float32,
                    precision=lax.Precision.HIGHEST)
            + be2_ref[cc])


def _edge_proj(ea2, W2, be2):
    blk = 2048
    grid = (_EP // 2 // blk,)
    return pl.pallas_call(
        _edge_proj_body,
        grid=grid,
        in_specs=[
            pl.BlockSpec((blk, 2 * _ED), lambda i: (i, 0)),
            pl.BlockSpec((_NC, 2 * _ED, _D), lambda i: (0, 0, 0)),
            pl.BlockSpec((_NC, 1, _D), lambda i: (0, 0, 0)),
        ],
        out_specs=pl.BlockSpec((_NC, blk, _D), lambda i: (0, i, 0)),
        out_shape=jax.ShapeDtypeStruct((_NC, _EP // 2, _D), jnp.float32),
    )(ea2, W2, be2)


def _pack_proj_weights(We, be):
    z = jnp.zeros((_ED, _DH), jnp.float32)
    halves = (We[:, :_DH], We[:, _DH:])
    W2 = jnp.stack([
        jnp.concatenate([jnp.concatenate([h, z], axis=1),
                         jnp.concatenate([z, h], axis=1)], axis=0)
        for h in halves])
    be2 = jnp.stack([jnp.concatenate([be[:_DH], be[:_DH]]),
                     jnp.concatenate([be[_DH:], be[_DH:]])]).reshape(_NC, 1, _D)
    return W2, be2


def _node_update_body(x_ref, a_ref, w_ref, b_ref, out_ref, both_ref):
    acc = x_ref[...] + jnp.concatenate(
        [a_ref[0][:, :_DH], a_ref[1][:, :_DH]], axis=1)
    r = (jnp.dot(acc, w_ref[...], preferred_element_type=jnp.float32,
                 precision=lax.Precision.HIGHEST)
         + b_ref[...])
    h = jnp.maximum(r, 0.0)
    out_ref[...] = h
    both_ref[0] = h
    both_ref[1] = jnp.concatenate([h[:, _DH:], h[:, :_DH]], axis=1)


def _node_update(x, parts, W, b):
    blk = 2000
    grid = (_N // blk,)
    return pl.pallas_call(
        _node_update_body,
        grid=grid,
        in_specs=[
            pl.BlockSpec((blk, _D), lambda i: (i, 0)),
            pl.BlockSpec((_NC, blk, _D), lambda i: (0, i, 0)),
            pl.BlockSpec((_D, _D), lambda i: (0, 0)),
            pl.BlockSpec((1, _D), lambda i: (0, 0)),
        ],
        out_specs=[
            pl.BlockSpec((blk, _D), lambda i: (i, 0)),
            pl.BlockSpec((_NC, blk, _D), lambda i: (0, i, 0)),
        ],
        out_shape=[
            jax.ShapeDtypeStruct((_N, _D), jnp.float32),
            jax.ShapeDtypeStruct((_NC, _N, _D), jnp.float32),
        ],
    )(x, parts, W, b.reshape(1, _D))


def _final_body(x_ref, wl_ref, bl_ref, out_ref):
    out_ref[...] = (
        jnp.dot(x_ref[...], wl_ref[...], preferred_element_type=jnp.float32,
                precision=lax.Precision.HIGHEST)
        + bl_ref[...])


def _final(x, Wl, bl):
    blk = 2000
    grid = (_N // blk,)
    return pl.pallas_call(
        _final_body,
        grid=grid,
        in_specs=[
            pl.BlockSpec((blk, _D), lambda i: (i, 0)),
            pl.BlockSpec((_D, _D), lambda i: (0, 0)),
            pl.BlockSpec((1, _D), lambda i: (0, 0)),
        ],
        out_specs=pl.BlockSpec((blk, _D), lambda i: (i, 0)),
        out_shape=jax.ShapeDtypeStruct((_N, _D), jnp.float32),
    )(x, Wl, bl.reshape(1, _D))



def _msgpass_body(x_hbm, e_hbm, src_hbm, dst_hbm, out_hbm,
                  srci_v, dsti_v, e_v, x_v, m_v, z_v, aggr_sh,
                  lsem0, lsem1, isem):
    c = lax.axis_index("c")
    s = lax.axis_index("s")

    def _zrow(i, carry):
        for f in range(_FVH):
            z_v[i, pl.ds(f * 16, 16)] = jnp.zeros((16,), jnp.float32)
        return carry
    lax.fori_loop(0, _ZR, _zrow, 0)

    def _zcopy(j, carry):
        pltpu.sync_copy(z_v, aggr_sh.at[pl.ds(s * _RPT + j * _ZR, _ZR), :])
        return carry
    lax.fori_loop(0, _RPT // _ZR, _zcopy, 0)
    plsc.subcore_barrier()

    def _mzrow(i, carry):
        for f in range(_FVH):
            m_v[i, pl.ds(_DH + f * 16, 16)] = jnp.zeros((16,), jnp.float32)
        return carry
    lax.fori_loop(0, _CHUNK, _mzrow, 0)

    base2 = s * (_EPT // 2)
    ibase = s * _EPT

    @pl.loop(0, _KCH)
    def _chunk_loop(chunk):
        pltpu.sync_copy(
            src_hbm.at[pl.ds(ibase + chunk * _CHUNK, _CHUNK)], srci_v)
        pltpu.sync_copy(
            dst_hbm.at[pl.ds(ibase + chunk * _CHUNK, _CHUNK)], dsti_v)
        pltpu.sync_copy(
            e_hbm.at[c].at[
                pl.ds(base2 + chunk * (_CHUNK // 2), _CHUNK // 2), :],
            e_v)
        pltpu.async_copy(x_hbm.at[c].at[srci_v], x_v, lsem0).wait()

        def _mrow(pr, carry):
            for half in range(2):
                i = 2 * pr + half
                for f in range(_FVH):
                    sl = pl.ds(f * 16, 16)
                    esl = pl.ds(half * _DH + f * 16, 16)
                    m = jnp.maximum(x_v[i, sl] + e_v[pr, esl], 0.0)
                    m_v[i, sl] = m
            return carry
        lax.fori_loop(0, _CHUNK // 2, _mrow, 0)

        pltpu.sync_copy(m_v, aggr_sh.at[dsti_v], add=True)

    plsc.subcore_barrier()
    @pl.when(s < _NS - 1)
    def _writeout_main():
        pltpu.sync_copy(
            aggr_sh.at[pl.ds(s * _WR, _WR), :],
            out_hbm.at[c].at[pl.ds(s * _WR, _WR), :])

    @pl.when(s == _NS - 1)
    def _writeout_tail():
        pltpu.sync_copy(
            aggr_sh.at[pl.ds((_NS - 1) * _WR, _WT), :],
            out_hbm.at[c].at[pl.ds((_NS - 1) * _WR, _WT), :])


def _msgpass(x, e_split, src_r, dst_r):
    mesh = plsc.VectorSubcoreMesh(core_axis_name="c", subcore_axis_name="s")
    kern = pl.kernel(
        _msgpass_body,
        out_type=jax.ShapeDtypeStruct((_NC, _N, _D), jnp.float32),
        mesh=mesh,
        scratch_types=[
            pltpu.VMEM((_CHUNK,), jnp.int32),
            pltpu.VMEM((_CHUNK,), jnp.int32),
            pltpu.VMEM((_CHUNK // 2, _D), jnp.float32),
            pltpu.VMEM((_CHUNK, _D), jnp.float32),
            pltpu.VMEM((_CHUNK, _D), jnp.float32),
            pltpu.VMEM((_ZR, _D), jnp.float32),
            pltpu.VMEM_SHARED((_NPAD, _D), jnp.float32),
            pltpu.SemaphoreType.DMA,
            pltpu.SemaphoreType.DMA,
            pltpu.SemaphoreType.DMA,
        ],
    )
    return kern(x, e_split, src_r, dst_r)



def kernel(x, edge_index, edge_attr,
           We1, be1, W1, b1, We2, be2, W2, b2, We3, be3, W3, b3, Wl, bl):
    npad = _EP - _E
    src_r = jnp.concatenate(
        [edge_index[0], (jnp.arange(npad, dtype=jnp.int32) * 131) % _N])
    dst_r = jnp.concatenate(
        [edge_index[1], _N + jnp.arange(npad, dtype=jnp.int32) % (_NPAD - _N)])
    ea2 = jnp.concatenate(
        [edge_attr.reshape(_E // 2, 2 * _ED),
         jnp.zeros((npad // 2, 2 * _ED), jnp.float32)])
    packed = [_pack_proj_weights(We, be)
              for We, be in ((We1, be1), (We2, be2), (We3, be3))]
    W2s = jnp.stack([wb[0] for wb in packed])
    be2s = jnp.stack([wb[1] for wb in packed])
    Ws = jnp.stack([W1, W2, W3])
    bs = jnp.stack([b1, b2, b3])

    x_both = jnp.stack(
        [x, jnp.concatenate([x[:, _DH:], x[:, :_DH]], axis=1)])

    def _layer(carry, wts):
        h, hb = carry
        W2, be2, W, b = wts
        e = _edge_proj(ea2, W2, be2)
        parts = _msgpass(hb, e, src_r, dst_r)
        return _node_update(h, parts, W, b), None

    (h, _), _ = lax.scan(_layer, (x, x_both), (W2s, be2s, Ws, bs))
    return _final(h, Wl, bl)

# --- scband reference (transcript-rebuilt; emitter-appended) ---
"""Pipeline reference for scband-gin-3layer-node-ea-27565100106142 (READ-ONLY COPY).

The authoritative reference and input builder live on the scoring server;
editing this copy changes nothing except your own understanding.
"""

import jax, jax.numpy as jnp
import numpy as np

N = 10000
E = 320000
D = 128
ED = 16


def _glorot(key, shape):
    fan_in = shape[0]
    return jax.random.normal(key, shape, dtype=jnp.float32) * (1.0 / np.sqrt(fan_in))


def setup_inputs(seed: int = 0) -> dict:
    key = jax.random.key(seed)
    ks = jax.random.split(key, 20)
    inp = {}
    inp["x"] = jax.random.normal(ks[0], (N, D), dtype=jnp.float32)
    inp["edge_index"] = jax.random.randint(ks[1], (2, E), 0, N, dtype=jnp.int32)
    inp["edge_attr"] = jax.random.normal(ks[2], (E, ED), dtype=jnp.float32)
    # GINEConv edge projections (edge_dim -> in_channels) and MLPs (Linear in->hidden)
    inp["We1"] = _glorot(ks[3], (ED, D)); inp["be1"] = jnp.zeros((D,), jnp.float32)
    inp["W1"] = _glorot(ks[4], (D, D)); inp["b1"] = jnp.zeros((D,), jnp.float32)
    inp["We2"] = _glorot(ks[5], (ED, D)); inp["be2"] = jnp.zeros((D,), jnp.float32)
    inp["W2"] = _glorot(ks[6], (D, D)); inp["b2"] = jnp.zeros((D,), jnp.float32)
    inp["We3"] = _glorot(ks[7], (ED, D)); inp["be3"] = jnp.zeros((D,), jnp.float32)
    inp["W3"] = _glorot(ks[8], (D, D)); inp["b3"] = jnp.zeros((D,), jnp.float32)
    inp["Wl"] = _glorot(ks[9], (D, D)); inp["bl"] = jnp.zeros((D,), jnp.float32)
    return inp


def _gine_conv(x, edge_index, edge_attr, We, be, W, b, eps=0.0):
    # PyG GINEConv: message = relu(x_j + lin_edge(edge_attr)); aggr=sum at target i;
    # out = nn((1+eps)*x_i + aggr)
    src = edge_index[0]
    dst = edge_index[1]
    e = edge_attr @ We + be                      # [E, D] edge projection
    m = jax.nn.relu(x[src] + e)                  # gather + message
    aggr = jnp.zeros_like(x).at[dst].add(m)      # scatter-add
    return ((1.0 + eps) * x + aggr) @ W + b


def reference(x, edge_index, edge_attr, We1, be1, W1, b1, We2, be2, W2, b2, We3, be3, W3, b3, Wl, bl):
    h = jax.nn.relu(_gine_conv(x, edge_index, edge_attr, We1, be1, W1, b1))
    h = jax.nn.relu(_gine_conv(h, edge_index, edge_attr, We2, be2, W2, b2))
    h = jax.nn.relu(_gine_conv(h, edge_index, edge_attr, We3, be3, W3, b3))
    return h @ Wl + bl

if __name__ == "__main__":
    import jax
    _d = setup_inputs()
    print(jax.jit(kernel)(*tuple(_d.values())))

</pallas_src>

<mosaic_0001>
#map = affine_map<(d0, d1) -> (0, 0, 0)>
#map1 = affine_map<(d0, d1) -> (0)>
module attributes {stable_mosaic.version = 14 : i64} {
  func.func @_msgpass_body(%arg0: i32, %arg1: i32, %arg2: memref<2x10000x128xf32, #tpu.memory_space<hbm>>, %arg3: memref<2x163840x128xf32, #tpu.memory_space<hbm>>, %arg4: memref<327680xi32, #tpu.memory_space<hbm>>, %arg5: memref<327680xi32, #tpu.memory_space<hbm>>, %arg6: memref<2x10000x128xf32, #tpu.memory_space<hbm>>, %arg7: memref<128xi32, #tpu.memory_space<vmem>>, %arg8: memref<128xi32, #tpu.memory_space<vmem>>, %arg9: memref<64x128xf32, #tpu.memory_space<vmem>>, %arg10: memref<128x128xf32, #tpu.memory_space<vmem>>, %arg11: memref<128x128xf32, #tpu.memory_space<vmem>>, %arg12: memref<32x128xf32, #tpu.memory_space<vmem>>, %arg13: memref<10240x128xf32, #tpu.memory_space<vmem_shared>>, %arg14: memref<!tpu.dma_semaphore, #tpu.memory_space<semaphore_mem>>, %arg15: memref<!tpu.dma_semaphore, #tpu.memory_space<semaphore_mem>>, %arg16: memref<!tpu.dma_semaphore, #tpu.memory_space<semaphore_mem>>) attributes {dimension_semantics = [#tpu.dimension_semantics<core_parallel>, #tpu.dimension_semantics<subcore_parallel>], iteration_bounds = array<i64: 2, 16>, scalar_prefetch = 0 : i64, scratch_operands = 10 : i64, tpu.core_type = #tpu.core_type<sc_vector_subcore>, window_params = [{transform_indices = #map}, {transform_indices = #map}, {transform_indices = #map1}, {transform_indices = #map1}, {transform_indices = #map}]} {
    %scan3A = arith.constant 0 : i32
    %scan3A_0 = arith.constant 0 : i32
    %scan3A_1 = arith.constant 32 : i32
    %scan3A_2 = arith.addi %scan3A_0, %scan3A_1 : i32
    %scan3A_3 = arith.constant 1 : i32
    scf.for %scan3A_32 = %scan3A_0 to %scan3A_2 step %scan3A_3  : i32 {
      %broadcast_in_dim3A = arith.constant 0.000000e+00 : f32
      %broadcast_in_dim3A_33 = vector.broadcast %broadcast_in_dim3A : f32 to vector<16xf32>
      %swap3A = arith.index_cast %scan3A_32 : i32 to index
      %swap3A_34 = arith.constant 0 : index
      %swap3A_35 = tpu.vector_load %arg12[%swap3A, %swap3A_34] {strides = array<i32>} : memref<32x128xf32, #tpu.memory_space<vmem>>, vector<1x16xf32>,
      %swap3A_36 = vector.shape_cast %swap3A_35 : vector<1x16xf32> to vector<16xf32>
      %swap3A_37 = vector.shape_cast %broadcast_in_dim3A_33 : vector<16xf32> to vector<1x16xf32>
      tpu.vector_store %arg12[%swap3A, %swap3A_34], %swap3A_37 {strides = array<i32>} : memref<32x128xf32, #tpu.memory_space<vmem>>, vector<1x16xf32>,
      %broadcast_in_dim3A_38 = arith.constant 0.000000e+00 : f32
      %broadcast_in_dim3A_39 = vector.broadcast %broadcast_in_dim3A_38 : f32 to vector<16xf32>
      %swap3A_40 = arith.index_cast %scan3A_32 : i32 to index
      %swap3A_41 = arith.constant 16 : index
      %swap3A_42 = tpu.vector_load %arg12[%swap3A_40, %swap3A_41] {strides = array<i32>} : memref<32x128xf32, #tpu.memory_space<vmem>>, vector<1x16xf32>,
      %swap3A_43 = vector.shape_cast %swap3A_42 : vector<1x16xf32> to vector<16xf32>
      %swap3A_44 = vector.shape_cast %broadcast_in_dim3A_39 : vector<16xf32> to vector<1x16xf32>
      tpu.vector_store %arg12[%swap3A_40, %swap3A_41], %swap3A_44 {strides = array<i32>} : memref<32x128xf32, #tpu.memory_space<vmem>>, vector<1x16xf32>,
      %broadcast_in_dim3A_45 = arith.constant 0.000000e+00 : f32
      %broadcast_in_dim3A_46 = vector.broadcast %broadcast_in_dim3A_45 : f32 to vector<16xf32>
      %swap3A_47 = arith.index_cast %scan3A_32 : i32 to index
      %swap3A_48 = arith.constant 32 : index
      %swap3A_49 = tpu.vector_load %arg12[%swap3A_47, %swap3A_48] {strides = array<i32>} : memref<32x128xf32, #tpu.memory_space<vmem>>, vector<1x16xf32>,
      %swap3A_50 = vector.shape_cast %swap3A_49 : vector<1x16xf32> to vector<16xf32>
      %swap3A_51 = vector.shape_cast %broadcast_in_dim3A_46 : vector<16xf32> to vector<1x16xf32>
      tpu.vector_store %arg12[%swap3A_47, %swap3A_48], %swap3A_51 {strides = array<i32>} : memref<32x128xf32, #tpu.memory_space<vmem>>, vector<1x16xf32>,
      %broadcast_in_dim3A_52 = arith.constant 0.000000e+00 : f32
      %broadcast_in_dim3A_53 = vector.broadcast %broadcast_in_dim3A_52 : f32 to vector<16xf32>
      %swap3A_54 = arith.index_cast %scan3A_32 : i32 to index
      %swap3A_55 = arith.constant 48 : index
      %swap3A_56 = tpu.vector_load %arg12[%swap3A_54, %swap3A_55] {strides = array<i32>} : memref<32x128xf32, #tpu.memory_space<vmem>>, vector<1x16xf32>,
      %swap3A_57 = vector.shape_cast %swap3A_56 : vector<1x16xf32> to vector<16xf32>
      %swap3A_58 = vector.shape_cast %broadcast_in_dim3A_53 : vector<16xf32> to vector<1x16xf32>
      tpu.vector_store %arg12[%swap3A_54, %swap3A_55], %swap3A_58 {strides = array<i32>} : memref<32x128xf32, #tpu.memory_space<vmem>>, vector<1x16xf32>,
    }
    %scan3A_4 = arith.constant 32 : i32
    %scan3A_5 = arith.constant 0 : i32
    %scan3A_6 = arith.constant 0 : i32
    %scan3A_7 = arith.constant 20 : i32
    %scan3A_8 = arith.addi %scan3A_6, %scan3A_7 : i32
    %scan3A_9 = arith.constant 1 : i32
    scf.for %scan3A_32 = %scan3A_6 to %scan3A_8 step %scan3A_9  : i32 {
      %mul3A_33 = arith.constant 640 : i32
      %mul3A_34 = arith.muli %arg1, %mul3A_33 : i32
      %mul3A_35 = arith.constant 32 : i32
      %mul3A_36 = arith.muli %scan3A_32, %mul3A_35 : i32
      %add3A = arith.addi %mul3A_34, %mul3A_36 : i32
      "tpu.region"() ({
        %run_scoped3A = tpu.sem_alloc : memref<!tpu.dma_semaphore, #tpu.memory_space<semaphore_mem>>
        %dma_start3A = arith.constant 0 : i32
        %dma_start3A_37 = tpu.memref_slice %arg13[%add3A, %dma_start3A] : memref<10240x128xf32, #tpu.memory_space<vmem_shared>> -> memref<32x128xf32, #tpu.memory_space<vmem_shared>>
        %dma_start3A_38 = arith.constant 0 : i32
        %dma_start3A_39 = tpu.memref_slice %arg13[%add3A, %dma_start3A_38] : memref<10240x128xf32, #tpu.memory_space<vmem_shared>> -> memref<32x128xf32, #tpu.memory_space<vmem_shared>>
        tpu.enqueue_dma source(%arg12 : memref<32x128xf32, #tpu.memory_space<vmem>>) target(%dma_start3A_39 : memref<32x128xf32, #tpu.memory_space<vmem_shared>>) target_semaphore(%run_scoped3A : memref<!tpu.dma_semaphore, #tpu.memory_space<semaphore_mem>>)
        %dma_wait3A = arith.constant 0 : i32
        %dma_wait3A_40 = tpu.memref_slice %arg13[%add3A, %dma_wait3A] : memref<10240x128xf32, #tpu.memory_space<vmem_shared>> -> memref<32x128xf32, #tpu.memory_space<vmem_shared>>
        %dma_wait3A_41 = arith.constant 0 : i32
        %dma_wait3A_42 = tpu.memref_slice %arg13[%add3A, %dma_wait3A_41] : memref<10240x128xf32, #tpu.memory_space<vmem_shared>> -> memref<32x128xf32, #tpu.memory_space<vmem_shared>>
        tpu.wait_dma2 semaphore(%run_scoped3A : memref<!tpu.dma_semaphore, #tpu.memory_space<semaphore_mem>>) src(%arg12 : memref<32x128xf32, #tpu.memory_space<vmem>>) dst(%dma_wait3A_42 : memref<32x128xf32, #tpu.memory_space<vmem_shared>>)
        tpu.yield
      }) : () -> ()
    }
    %scan3A_10 = arith.constant 20 : i32
    %barrier3A = arith.constant 0 : index
    tpu.barrier barrier_id(%barrier3A)
    %scan3A_11 = arith.constant 0 : i32
    %scan3A_12 = arith.constant 0 : i32
    %scan3A_13 = arith.constant 128 : i32
    %scan3A_14 = arith.addi %scan3A_12, %scan3A_13 : i32
    %scan3A_15 = arith.constant 1 : i32
    scf.for %scan3A_32 = %scan3A_12 to %scan3A_14 step %scan3A_15  : i32 {
      %broadcast_in_dim3A = arith.constant 0.000000e+00 : f32
      %broadcast_in_dim3A_33 = vector.broadcast %broadcast_in_dim3A : f32 to vector<16xf32>
      %swap3A = arith.index_cast %scan3A_32 : i32 to index
      %swap3A_34 = arith.constant 64 : index
      %swap3A_35 = tpu.vector_load %arg11[%swap3A, %swap3A_34] {strides = array<i32>} : memref<128x128xf32, #tpu.memory_space<vmem>>, vector<1x16xf32>,
      %swap3A_36 = vector.shape_cast %swap3A_35 : vector<1x16xf32> to vector<16xf32>
      %swap3A_37 = vector.shape_cast %broadcast_in_dim3A_33 : vector<16xf32> to vector<1x16xf32>
      tpu.vector_store %arg11[%swap3A, %swap3A_34], %swap3A_37 {strides = array<i32>} : memref<128x128xf32, #tpu.memory_space<vmem>>, vector<1x16xf32>,
      %broadcast_in_dim3A_38 = arith.constant 0.000000e+00 : f32
      %broadcast_in_dim3A_39 = vector.broadcast %broadcast_in_dim3A_38 : f32 to vector<16xf32>
      %swap3A_40 = arith.index_cast %scan3A_32 : i32 to index
      %swap3A_41 = arith.constant 80 : index
      %swap3A_42 = tpu.vector_load %arg11[%swap3A_40, %swap3A_41] {strides = array<i32>} : memref<128x128xf32, #tpu.memory_space<vmem>>, vector<1x16xf32>,
      %swap3A_43 = vector.shape_cast %swap3A_42 : vector<1x16xf32> to vector<16xf32>
      %swap3A_44 = vector.shape_cast %broadcast_in_dim3A_39 : vector<16xf32> to vector<1x16xf32>
      tpu.vector_store %arg11[%swap3A_40, %swap3A_41], %swap3A_44 {strides = array<i32>} : memref<128x128xf32, #tpu.memory_space<vmem>>, vector<1x16xf32>,
      %broadcast_in_dim3A_45 = arith.constant 0.000000e+00 : f32
      %broadcast_in_dim3A_46 = vector.broadcast %broadcast_in_dim3A_45 : f32 to vector<16xf32>
      %swap3A_47 = arith.index_cast %scan3A_32 : i32 to index
      %swap3A_48 = arith.constant 96 : index
      %swap3A_49 = tpu.vector_load %arg11[%swap3A_47, %swap3A_48] {strides = array<i32>} : memref<128x128xf32, #tpu.memory_space<vmem>>, vector<1x16xf32>,
      %swap3A_50 = vector.shape_cast %swap3A_49 : vector<1x16xf32> to vector<16xf32>
      %swap3A_51 = vector.shape_cast %broadcast_in_dim3A_46 : vector<16xf32> to vector<1x16xf32>
      tpu.vector_store %arg11[%swap3A_47, %swap3A_48], %swap3A_51 {strides = array<i32>} : memref<128x128xf32, #tpu.memory_space<vmem>>, vector<1x16xf32>,
      %broadcast_in_dim3A_52 = arith.constant 0.000000e+00 : f32
      %broadcast_in_dim3A_53 = vector.broadcast %broadcast_in_dim3A_52 : f32 to vector<16xf32>
      %swap3A_54 = arith.index_cast %scan3A_32 : i32 to index
      %swap3A_55 = arith.constant 112 : index
      %swap3A_56 = tpu.vector_load %arg11[%swap3A_54, %swap3A_55] {strides = array<i32>} : memref<128x128xf32, #tpu.memory_space<vmem>>, vector<1x16xf32>,
      %swap3A_57 = vector.shape_cast %swap3A_56 : vector<1x16xf32> to vector<16xf32>
      %swap3A_58 = vector.shape_cast %broadcast_in_dim3A_53 : vector<16xf32> to vector<1x16xf32>
      tpu.vector_store %arg11[%swap3A_54, %swap3A_55], %swap3A_58 {strides = array<i32>} : memref<128x128xf32, #tpu.memory_space<vmem>>, vector<1x16xf32>,
    }
    %scan3A_16 = arith.constant 128 : i32
    %mul3A = arith.constant 10240 : i32
    %mul3A_17 = arith.muli %arg1, %mul3A : i32
    %mul3A_18 = arith.constant 20480 : i32
    %mul3A_19 = arith.muli %arg1, %mul3A_18 : i32
    %scan3A_20 = arith.constant 0 : i32
    %scan3A_21 = arith.constant 160 : i32
    %scan3A_22 = arith.addi %scan3A_20, %scan3A_21 : i32
    %scan3A_23 = arith.constant 1 : i32
    scf.for %scan3A_32 = %scan3A_20 to %scan3A_22 step %scan3A_23  : i32 {
      %mul3A_33 = arith.constant 1 : i32
      %mul3A_34 = arith.muli %scan3A_32, %mul3A_33 : i32
      %add3A = arith.constant 0 : i32
      %add3A_35 = arith.addi %add3A, %mul3A_34 : i32
      %mul3A_36 = arith.constant 128 : i32
      %mul3A_37 = arith.muli %add3A_35, %mul3A_36 : i32
      %add3A_38 = arith.addi %mul3A_19, %mul3A_37 : i32
      "tpu.region"() ({
        %run_scoped3A = tpu.sem_alloc : memref<!tpu.dma_semaphore, #tpu.memory_space<semaphore_mem>>
        %dma_start3A_63 = tpu.memref_slice %arg4[%add3A_38] : memref<327680xi32, #tpu.memory_space<hbm>> -> memref<128xi32, #tpu.memory_space<hbm>>
        %dma_start3A_64 = tpu.memref_slice %arg4[%add3A_38] : memref<327680xi32, #tpu.memory_space<hbm>> -> memref<128xi32, #tpu.memory_space<hbm>>
        tpu.enqueue_dma source(%dma_start3A_64 : memref<128xi32, #tpu.memory_space<hbm>>) target(%arg7 : memref<128xi32, #tpu.memory_space<vmem>>) target_semaphore(%run_scoped3A : memref<!tpu.dma_semaphore, #tpu.memory_space<semaphore_mem>>)
        %dma_wait3A_65 = tpu.memref_slice %arg4[%add3A_38] : memref<327680xi32, #tpu.memory_space<hbm>> -> memref<128xi32, #tpu.memory_space<hbm>>
        %dma_wait3A_66 = tpu.memref_slice %arg4[%add3A_38] : memref<327680xi32, #tpu.memory_space<hbm>> -> memref<128xi32, #tpu.memory_space<hbm>>
        tpu.wait_dma2 semaphore(%run_scoped3A : memref<!tpu.dma_semaphore, #tpu.memory_space<semaphore_mem>>) src(%dma_wait3A_66 : memref<128xi32, #tpu.memory_space<hbm>>) dst(%arg7 : memref<128xi32, #tpu.memory_space<vmem>>)
        tpu.yield
      }) : () -> ()
      %mul3A_39 = arith.constant 128 : i32
      %mul3A_40 = arith.muli %add3A_35, %mul3A_39 : i32
      %add3A_41 = arith.addi %mul3A_19, %mul3A_40 : i32
      "tpu.region"() ({
        %run_scoped3A = tpu.sem_alloc : memref<!tpu.dma_semaphore, #tpu.memory_space<semaphore_mem>>
        %dma_start3A_63 = tpu.memref_slice %arg5[%add3A_41] : memref<327680xi32, #tpu.memory_space<hbm>> -> memref<128xi32, #tpu.memory_space<hbm>>
        %dma_start3A_64 = tpu.memref_slice %arg5[%add3A_41] : memref<327680xi32, #tpu.memory_space<hbm>> -> memref<128xi32, #tpu.memory_space<hbm>>
        tpu.enqueue_dma source(%dma_start3A_64 : memref<128xi32, #tpu.memory_space<hbm>>) target(%arg8 : memref<128xi32, #tpu.memory_space<vmem>>) target_semaphore(%run_scoped3A : memref<!tpu.dma_semaphore, #tpu.memory_space<semaphore_mem>>)
        %dma_wait3A_65 = tpu.memref_slice %arg5[%add3A_41] : memref<327680xi32, #tpu.memory_space<hbm>> -> memref<128xi32, #tpu.memory_space<hbm>>
        %dma_wait3A_66 = tpu.memref_slice %arg5[%add3A_41] : memref<327680xi32, #tpu.memory_space<hbm>> -> memref<128xi32, #tpu.memory_space<hbm>>
        tpu.wait_dma2 semaphore(%run_scoped3A : memref<!tpu.dma_semaphore, #tpu.memory_space<semaphore_mem>>) src(%dma_wait3A_66 : memref<128xi32, #tpu.memory_space<hbm>>) dst(%arg8 : memref<128xi32, #tpu.memory_space<vmem>>)
        tpu.yield
      }) : () -> ()
      %mul3A_42 = arith.constant 64 : i32
      %mul3A_43 = arith.muli %add3A_35, %mul3A_42 : i32
      %add3A_44 = arith.addi %mul3A_17, %mul3A_43 : i32
      "tpu.region"() ({
        %run_scoped3A = tpu.sem_alloc : memref<!tpu.dma_semaphore, #tpu.memory_space<semaphore_mem>>
        %dma_start3A_63 = arith.constant 0 : i32
        %dma_start3A_64 = arith.constant 0 : i32
        %dma_start3A_65 = tpu.memref_slice %arg3[%arg0, %dma_start3A_63, %dma_start3A_64] : memref<2x163840x128xf32, #tpu.memory_space<hbm>> -> memref<1x163840x128xf32, #tpu.memory_space<hbm>>
        %dma_start3A_66 = tpu.memref_squeeze %dma_start3A_65 : memref<1x163840x128xf32, #tpu.memory_space<hbm>> -> memref<163840x128xf32, #tpu.memory_space<hbm>>
        %dma_start3A_67 = arith.constant 0 : i32
        %dma_start3A_68 = tpu.memref_slice %dma_start3A_66[%add3A_44, %dma_start3A_67] : memref<163840x128xf32, #tpu.memory_space<hbm>> -> memref<64x128xf32, #tpu.memory_space<hbm>>
        %dma_start3A_69 = arith.constant 0 : i32
        %dma_start3A_70 = arith.constant 0 : i32
        %dma_start3A_71 = tpu.memref_slice %arg3[%arg0, %dma_start3A_69, %dma_start3A_70] : memref<2x163840x128xf32, #tpu.memory_space<hbm>> -> memref<1x163840x128xf32, #tpu.memory_space<hbm>>
        %dma_start3A_72 = tpu.memref_squeeze %dma_start3A_71 : memref<1x163840x128xf32, #tpu.memory_space<hbm>> -> memref<163840x128xf32, #tpu.memory_space<hbm>>
        %dma_start3A_73 = arith.constant 0 : i32
        %dma_start3A_74 = tpu.memref_slice %dma_start3A_72[%add3A_44, %dma_start3A_73] : memref<163840x128xf32, #tpu.memory_space<hbm>> -> memref<64x128xf32, #tpu.memory_space<hbm>>
        tpu.enqueue_dma source(%dma_start3A_74 : memref<64x128xf32, #tpu.memory_space<hbm>>) target(%arg9 : memref<64x128xf32, #tpu.memory_space<vmem>>) target_semaphore(%run_scoped3A : memref<!tpu.dma_semaphore, #tpu.memory_space<semaphore_mem>>)
        %dma_wait3A_75 = arith.constant 0 : i32
        %dma_wait3A_76 = arith.constant 0 : i32
        %dma_wait3A_77 = tpu.memref_slice %arg3[%arg0, %dma_wait3A_75, %dma_wait3A_76] : memref<2x163840x128xf32, #tpu.memory_space<hbm>> -> memref<1x163840x128xf32, #tpu.memory_space<hbm>>
        %dma_wait3A_78 = tpu.memref_squeeze %dma_wait3A_77 : memref<1x163840x128xf32, #tpu.memory_space<hbm>> -> memref<163840x128xf32, #tpu.memory_space<hbm>>
        %dma_wait3A_79 = arith.constant 0 : i32
        %dma_wait3A_80 = tpu.memref_slice %dma_wait3A_78[%add3A_44, %dma_wait3A_79] : memref<163840x128xf32, #tpu.memory_space<hbm>> -> memref<64x128xf32, #tpu.memory_space<hbm>>
        %dma_wait3A_81 = arith.constant 0 : i32
        %dma_wait3A_82 = arith.constant 0 : i32
        %dma_wait3A_83 = tpu.memref_slice %arg3[%arg0, %dma_wait3A_81, %dma_wait3A_82] : memref<2x163840x128xf32, #tpu.memory_space<hbm>> -> memref<1x163840x128xf32, #tpu.memory_space<hbm>>
        %dma_wait3A_84 = tpu.memref_squeeze %dma_wait3A_83 : memref<1x163840x128xf32, #tpu.memory_space<hbm>> -> memref<163840x128xf32, #tpu.memory_space<hbm>>
        %dma_wait3A_85 = arith.constant 0 : i32
        %dma_wait3A_86 = tpu.memref_slice %dma_wait3A_84[%add3A_44, %dma_wait3A_85] : memref<163840x128xf32, #tpu.memory_space<hbm>> -> memref<64x128xf32, #tpu.memory_space<hbm>>
        tpu.wait_dma2 semaphore(%run_scoped3A : memref<!tpu.dma_semaphore, #tpu.memory_space<semaphore_mem>>) src(%dma_wait3A_86 : memref<64x128xf32, #tpu.memory_space<hbm>>) dst(%arg9 : memref<64x128xf32, #tpu.memory_space<vmem>>)
        tpu.yield
      }) : () -> ()
      %dma_start3A = arith.constant 0 : i32
      %dma_start3A_45 = arith.constant 0 : i32
      %dma_start3A_46 = tpu.memref_slice %arg2[%arg0, %dma_start3A, %dma_start3A_45] : memref<2x10000x128xf32, #tpu.memory_space<hbm>> -> memref<1x10000x128xf32, #tpu.memory_space<hbm>>
      %dma_start3A_47 = tpu.memref_squeeze %dma_start3A_46 : memref<1x10000x128xf32, #tpu.memory_space<hbm>> -> memref<10000x128xf32, #tpu.memory_space<hbm>>
      %dma_start3A_48 = arith.constant 0 : i32
      %dma_start3A_49 = arith.constant 0 : i32
      %dma_start3A_50 = tpu.memref_slice %dma_start3A_47[%dma_start3A_48, %dma_start3A_49] : memref<10000x128xf32, #tpu.memory_space<hbm>> -> memref<10000x128xf32, #tpu.memory_space<hbm>>
      tpu.enqueue_indirect_dma source(%dma_start3A_50 : memref<10000x128xf32, #tpu.memory_space<hbm>>) target(%arg10 : memref<128x128xf32, #tpu.memory_space<vmem>>) offsets(%arg7 : memref<128xi32, #tpu.memory_space<vmem>>) semaphore(%arg14 : memref<!tpu.dma_semaphore, #tpu.memory_space<semaphore_mem>>)
      %dma_wait3A = arith.constant 0 : i32
      %dma_wait3A_51 = arith.constant 0 : i32
      %dma_wait3A_52 = tpu.memref_slice %arg2[%arg0, %dma_wait3A, %dma_wait3A_51] : memref<2x10000x128xf32, #tpu.memory_space<hbm>> -> memref<1x10000x128xf32, #tpu.memory_space<hbm>>
      %dma_wait3A_53 = tpu.memref_squeeze %dma_wait3A_52 : memref<1x10000x128xf32, #tpu.memory_space<hbm>> -> memref<10000x128xf32, #tpu.memory_space<hbm>>
      %dma_wait3A_54 = arith.constant 0 : i32
      %dma_wait3A_55 = arith.constant 0 : i32
      %dma_wait3A_56 = tpu.memref_slice %dma_wait3A_53[%dma_wait3A_54, %dma_wait3A_55] : memref<10000x128xf32, #tpu.memory_space<hbm>> -> memref<10000x128xf32, #tpu.memory_space<hbm>>
      tpu.wait_indirect_dma semaphore(%arg14 : memref<!tpu.dma_semaphore, #tpu.memory_space<semaphore_mem>>) src(%dma_wait3A_56 : memref<10000x128xf32, #tpu.memory_space<hbm>>) dst(%arg10 : memref<128x128xf32, #tpu.memory_space<vmem>>)
      %scan3A_57 = arith.constant 0 : i32
      %scan3A_58 = arith.constant 0 : i32
      %scan3A_59 = arith.constant 64 : i32
      %scan3A_60 = arith.addi %scan3A_58, %scan3A_59 : i32
      %scan3A_61 = arith.constant 1 : i32
      scf.for %scan3A_63 = %scan3A_58 to %scan3A_60 step %scan3A_61  : i32 {
        %mul3A_64 = arith.constant 2 : i32
        %mul3A_65 = arith.muli %mul3A_64, %scan3A_63 : i32
        %add3A_66 = arith.constant 0 : i32
        %add3A_67 = arith.addi %mul3A_65, %add3A_66 : i32
        %get3A = arith.index_cast %add3A_67 : i32 to index
        %get3A_68 = arith.constant 0 : index
        %get3A_69 = tpu.vector_load %arg10[%get3A, %get3A_68] {strides = array<i32>} : memref<128x128xf32, #tpu.memory_space<vmem>>, vector<1x16xf32>,
        %get3A_70 = vector.shape_cast %get3A_69 : vector<1x16xf32> to vector<16xf32>
        %get3A_71 = arith.index_cast %scan3A_63 : i32 to index
        %get3A_72 = arith.constant 0 : index
        %get3A_73 = tpu.vector_load %arg9[%get3A_71, %get3A_72] {strides = array<i32>} : memref<64x128xf32, #tpu.memory_space<vmem>>, vector<1x16xf32>,
        %get3A_74 = vector.shape_cast %get3A_73 : vector<1x16xf32> to vector<16xf32>
        %add3A_75 = arith.addf %get3A_70, %get3A_74 : vector<16xf32>
        %max3A = arith.constant 0.000000e+00 : f32
        %max3A_76 = vector.broadcast %max3A : f32 to vector<16xf32>
        %max3A_77 = arith.maximumf %add3A_75, %max3A_76 : vector<16xf32>
        %swap3A = arith.index_cast %add3A_67 : i32 to index
        %swap3A_78 = arith.constant 0 : index
        %swap3A_79 = tpu.vector_load %arg11[%swap3A, %swap3A_78] {strides = array<i32>} : memref<128x128xf32, #tpu.memory_space<vmem>>, vector<1x16xf32>,
        %swap3A_80 = vector.shape_cast %swap3A_79 : vector<1x16xf32> to vector<16xf32>
        %swap3A_81 = vector.shape_cast %max3A_77 : vector<16xf32> to vector<1x16xf32>
        tpu.vector_store %arg11[%swap3A, %swap3A_78], %swap3A_81 {strides = array<i32>} : memref<128x128xf32, #tpu.memory_space<vmem>>, vector<1x16xf32>,
        %get3A_82 = arith.index_cast %add3A_67 : i32 to index
        %get3A_83 = arith.constant 16 : index
        %get3A_84 = tpu.vector_load %arg10[%get3A_82, %get3A_83] {strides = array<i32>} : memref<128x128xf32, #tpu.memory_space<vmem>>, vector<1x16xf32>,
        %get3A_85 = vector.shape_cast %get3A_84 : vector<1x16xf32> to vector<16xf32>
        %get3A_86 = arith.index_cast %scan3A_63 : i32 to index
        %get3A_87 = arith.constant 16 : index
        %get3A_88 = tpu.vector_load %arg9[%get3A_86, %get3A_87] {strides = array<i32>} : memref<64x128xf32, #tpu.memory_space<vmem>>, vector<1x16xf32>,
        %get3A_89 = vector.shape_cast %get3A_88 : vector<1x16xf32> to vector<16xf32>
        %add3A_90 = arith.addf %get3A_85, %get3A_89 : vector<16xf32>
        %max3A_91 = arith.constant 0.000000e+00 : f32
        %max3A_92 = vector.broadcast %max3A_91 : f32 to vector<16xf32>
        %max3A_93 = arith.maximumf %add3A_90, %max3A_92 : vector<16xf32>
        %swap3A_94 = arith.index_cast %add3A_67 : i32 to index
        %swap3A_95 = arith.constant 16 : index
        %swap3A_96 = tpu.vector_load %arg11[%swap3A_94, %swap3A_95] {strides = array<i32>} : memref<128x128xf32, #tpu.memory_space<vmem>>, vector<1x16xf32>,
        %swap3A_97 = vector.shape_cast %swap3A_96 : vector<1x16xf32> to vector<16xf32>
        %swap3A_98 = vector.shape_cast %max3A_93 : vector<16xf32> to vector<1x16xf32>
        tpu.vector_store %arg11[%swap3A_94, %swap3A_95], %swap3A_98 {strides = array<i32>} : memref<128x128xf32, #tpu.memory_space<vmem>>, vector<1x16xf32>,
        %get3A_99 = arith.index_cast %add3A_67 : i32 to index
        %get3A_100 = arith.constant 32 : index
        %get3A_101 = tpu.vector_load %arg10[%get3A_99, %get3A_100] {strides = array<i32>} : memref<128x128xf32, #tpu.memory_space<vmem>>, vector<1x16xf32>,
        %get3A_102 = vector.shape_cast %get3A_101 : vector<1x16xf32> to vector<16xf32>
        %get3A_103 = arith.index_cast %scan3A_63 : i32 to index
        %get3A_104 = arith.constant 32 : index
        %get3A_105 = tpu.vector_load %arg9[%get3A_103, %get3A_104] {strides = array<i32>} : memref<64x128xf32, #tpu.memory_space<vmem>>, vector<1x16xf32>,
        %get3A_106 = vector.shape_cast %get3A_105 : vector<1x16xf32> to vector<16xf32>
        %add3A_107 = arith.addf %get3A_102, %get3A_106 : vector<16xf32>
        %max3A_108 = arith.constant 0.000000e+00 : f32
        %max3A_109 = vector.broadcast %max3A_108 : f32 to vector<16xf32>
        %max3A_110 = arith.maximumf %add3A_107, %max3A_109 : vector<16xf32>
        %swap3A_111 = arith.index_cast %add3A_67 : i32 to index
        %swap3A_112 = arith.constant 32 : index
        %swap3A_113 = tpu.vector_load %arg11[%swap3A_111, %swap3A_112] {strides = array<i32>} : memref<128x128xf32, #tpu.memory_space<vmem>>, vector<1x16xf32>,
        %swap3A_114 = vector.shape_cast %swap3A_113 : vector<1x16xf32> to vector<16xf32>
        %swap3A_115 = vector.shape_cast %max3A_110 : vector<16xf32> to vector<1x16xf32>
        tpu.vector_store %arg11[%swap3A_111, %swap3A_112], %swap3A_115 {strides = array<i32>} : memref<128x128xf32, #tpu.memory_space<vmem>>, vector<1x16xf32>,
        %get3A_116 = arith.index_cast %add3A_67 : i32 to index
        %get3A_117 = arith.constant 48 : index
        %get3A_118 = tpu.vector_load %arg10[%get3A_116, %get3A_117] {strides = array<i32>} : memref<128x128xf32, #tpu.memory_space<vmem>>, vector<1x16xf32>,
        %get3A_119 = vector.shape_cast %get3A_118 : vector<1x16xf32> to vector<16xf32>
        %get3A_120 = arith.index_cast %scan3A_63 : i32 to index
        %get3A_121 = arith.constant 48 : index
        %get3A_122 = tpu.vector_load %arg9[%get3A_120, %get3A_121] {strides = array<i32>} : memref<64x128xf32, #tpu.memory_space<vmem>>, vector<1x16xf32>,
        %get3A_123 = vector.shape_cast %get3A_122 : vector<1x16xf32> to vector<16xf32>
        %add3A_124 = arith.addf %get3A_119, %get3A_123 : vector<16xf32>
        %max3A_125 = arith.constant 0.000000e+00 : f32
        %max3A_126 = vector.broadcast %max3A_125 : f32 to vector<16xf32>
        %max3A_127 = arith.maximumf %add3A_124, %max3A_126 : vector<16xf32>
        %swap3A_128 = arith.index_cast %add3A_67 : i32 to index
        %swap3A_129 = arith.constant 48 : index
        %swap3A_130 = tpu.vector_load %arg11[%swap3A_128, %swap3A_129] {strides = array<i32>} : memref<128x128xf32, #tpu.memory_space<vmem>>, vector<1x16xf32>,
        %swap3A_131 = vector.shape_cast %swap3A_130 : vector<1x16xf32> to vector<16xf32>
        %swap3A_132 = vector.shape_cast %max3A_127 : vector<16xf32> to vector<1x16xf32>
        tpu.vector_store %arg11[%swap3A_128, %swap3A_129], %swap3A_132 {strides = array<i32>} : memref<128x128xf32, #tpu.memory_space<vmem>>, vector<1x16xf32>,
        %mul3A_133 = arith.constant 2 : i32
        %mul3A_134 = arith.muli %mul3A_133, %scan3A_63 : i32
        %add3A_135 = arith.constant 1 : i32
        %add3A_136 = arith.addi %mul3A_134, %add3A_135 : i32
        %get3A_137 = arith.index_cast %add3A_136 : i32 to index
        %get3A_138 = arith.constant 0 : index
        %get3A_139 = tpu.vector_load %arg10[%get3A_137, %get3A_138] {strides = array<i32>} : memref<128x128xf32, #tpu.memory_space<vmem>>, vector<1x16xf32>,
        %get3A_140 = vector.shape_cast %get3A_139 : vector<1x16xf32> to vector<16xf32>
        %get3A_141 = arith.index_cast %scan3A_63 : i32 to index
        %get3A_142 = arith.constant 64 : index
        %get3A_143 = tpu.vector_load %arg9[%get3A_141, %get3A_142] {strides = array<i32>} : memref<64x128xf32, #tpu.memory_space<vmem>>, vector<1x16xf32>,
        %get3A_144 = vector.shape_cast %get3A_143 : vector<1x16xf32> to vector<16xf32>
        %add3A_145 = arith.addf %get3A_140, %get3A_144 : vector<16xf32>
        %max3A_146 = arith.constant 0.000000e+00 : f32
        %max3A_147 = vector.broadcast %max3A_146 : f32 to vector<16xf32>
        %max3A_148 = arith.maximumf %add3A_145, %max3A_147 : vector<16xf32>
        %swap3A_149 = arith.index_cast %add3A_136 : i32 to index
        %swap3A_150 = arith.constant 0 : index
        %swap3A_151 = tpu.vector_load %arg11[%swap3A_149, %swap3A_150] {strides = array<i32>} : memref<128x128xf32, #tpu.memory_space<vmem>>, vector<1x16xf32>,
        %swap3A_152 = vector.shape_cast %swap3A_151 : vector<1x16xf32> to vector<16xf32>
        %swap3A_153 = vector.shape_cast %max3A_148 : vector<16xf32> to vector<1x16xf32>
        tpu.vector_store %arg11[%swap3A_149, %swap3A_150], %swap3A_153 {strides = array<i32>} : memref<128x128xf32, #tpu.memory_space<vmem>>, vector<1x16xf32>,
        %get3A_154 = arith.index_cast %add3A_136 : i32 to index
        %get3A_155 = arith.constant 16 : index
        %get3A_156 = tpu.vector_load %arg10[%get3A_154, %get3A_155] {strides = array<i32>} : memref<128x128xf32, #tpu.memory_space<vmem>>, vector<1x16xf32>,
        %get3A_157 = vector.shape_cast %get3A_156 : vector<1x16xf32> to vector<16xf32>
        %get3A_158 = arith.index_cast %scan3A_63 : i32 to index
        %get3A_159 = arith.constant 80 : index
        %get3A_160 = tpu.vector_load %arg9[%get3A_158, %get3A_159] {strides = array<i32>} : memref<64x128xf32, #tpu.memory_space<vmem>>, vector<1x16xf32>,
        %get3A_161 = vector.shape_cast %get3A_160 : vector<1x16xf32> to vector<16xf32>
        %add3A_162 = arith.addf %get3A_157, %get3A_161 : vector<16xf32>
        %max3A_163 = arith.constant 0.000000e+00 : f32
        %max3A_164 = vector.broadcast %max3A_163 : f32 to vector<16xf32>
        %max3A_165 = arith.maximumf %add3A_162, %max3A_164 : vector<16xf32>
        %swap3A_166 = arith.index_cast %add3A_136 : i32 to index
        %swap3A_167 = arith.constant 16 : index
        %swap3A_168 = tpu.vector_load %arg11[%swap3A_166, %swap3A_167] {strides = array<i32>} : memref<128x128xf32, #tpu.memory_space<vmem>>, vector<1x16xf32>,
        %swap3A_169 = vector.shape_cast %swap3A_168 : vector<1x16xf32> to vector<16xf32>
        %swap3A_170 = vector.shape_cast %max3A_165 : vector<16xf32> to vector<1x16xf32>
        tpu.vector_store %arg11[%swap3A_166, %swap3A_167], %swap3A_170 {strides = array<i32>} : memref<128x128xf32, #tpu.memory_space<vmem>>, vector<1x16xf32>,
        %get3A_171 = arith.index_cast %add3A_136 : i32 to index
        %get3A_172 = arith.constant 32 : index
        %get3A_173 = tpu.vector_load %arg10[%get3A_171, %get3A_172] {strides = array<i32>} : memref<128x128xf32, #tpu.memory_space<vmem>>, vector<1x16xf32>,
        %get3A_174 = vector.shape_cast %get3A_173 : vector<1x16xf32> to vector<16xf32>
        %get3A_175 = arith.index_cast %scan3A_63 : i32 to index
        %get3A_176 = arith.constant 96 : index
        %get3A_177 = tpu.vector_load %arg9[%get3A_175, %get3A_176] {strides = array<i32>} : memref<64x128xf32, #tpu.memory_space<vmem>>, vector<1x16xf32>,
        %get3A_178 = vector.shape_cast %get3A_177 : vector<1x16xf32> to vector<16xf32>
        %add3A_179 = arith.addf %get3A_174, %get3A_178 : vector<16xf32>
        %max3A_180 = arith.constant 0.000000e+00 : f32
        %max3A_181 = vector.broadcast %max3A_180 : f32 to vector<16xf32>
        %max3A_182 = arith.maximumf %add3A_179, %max3A_181 : vector<16xf32>
        %swap3A_183 = arith.index_cast %add3A_136 : i32 to index
        %swap3A_184 = arith.constant 32 : index
        %swap3A_185 = tpu.vector_load %arg11[%swap3A_183, %swap3A_184] {strides = array<i32>} : memref<128x128xf32, #tpu.memory_space<vmem>>, vector<1x16xf32>,
        %swap3A_186 = vector.shape_cast %swap3A_185 : vector<1x16xf32> to vector<16xf32>
        %swap3A_187 = vector.shape_cast %max3A_182 : vector<16xf32> to vector<1x16xf32>
        tpu.vector_store %arg11[%swap3A_183, %swap3A_184], %swap3A_187 {strides = array<i32>} : memref<128x128xf32, #tpu.memory_space<vmem>>, vector<1x16xf32>,
        %get3A_188 = arith.index_cast %add3A_136 : i32 to index
        %get3A_189 = arith.constant 48 : index
        %get3A_190 = tpu.vector_load %arg10[%get3A_188, %get3A_189] {strides = array<i32>} : memref<128x128xf32, #tpu.memory_space<vmem>>, vector<1x16xf32>,
        %get3A_191 = vector.shape_cast %get3A_190 : vector<1x16xf32> to vector<16xf32>
        %get3A_192 = arith.index_cast %scan3A_63 : i32 to index
        %get3A_193 = arith.constant 112 : index
        %get3A_194 = tpu.vector_load %arg9[%get3A_192, %get3A_193] {strides = array<i32>} : memref<64x128xf32, #tpu.memory_space<vmem>>, vector<1x16xf32>,
        %get3A_195 = vector.shape_cast %get3A_194 : vector<1x16xf32> to vector<16xf32>
        %add3A_196 = arith.addf %get3A_191, %get3A_195 : vector<16xf32>
        %max3A_197 = arith.constant 0.000000e+00 : f32
        %max3A_198 = vector.broadcast %max3A_197 : f32 to vector<16xf32>
        %max3A_199 = arith.maximumf %add3A_196, %max3A_198 : vector<16xf32>
        %swap3A_200 = arith.index_cast %add3A_136 : i32 to index
        %swap3A_201 = arith.constant 48 : index
        %swap3A_202 = tpu.vector_load %arg11[%swap3A_200, %swap3A_201] {strides = array<i32>} : memref<128x128xf32, #tpu.memory_space<vmem>>, vector<1x16xf32>,
        %swap3A_203 = vector.shape_cast %swap3A_202 : vector<1x16xf32> to vector<16xf32>
        %swap3A_204 = vector.shape_cast %max3A_199 : vector<16xf32> to vector<1x16xf32>
        tpu.vector_store %arg11[%swap3A_200, %swap3A_201], %swap3A_204 {strides = array<i32>} : memref<128x128xf32, #tpu.memory_space<vmem>>, vector<1x16xf32>,
      }
      %scan3A_62 = arith.constant 64 : i32
      "tpu.region"() ({
        %run_scoped3A = tpu.sem_alloc : memref<!tpu.dma_semaphore, #tpu.memory_space<semaphore_mem>>
        %dma_start3A_63 = arith.constant 0 : i32
        %dma_start3A_64 = arith.constant 0 : i32
        %dma_start3A_65 = tpu.memref_slice %arg13[%dma_start3A_63, %dma_start3A_64] : memref<10240x128xf32, #tpu.memory_space<vmem_shared>> -> memref<10240x128xf32, #tpu.memory_space<vmem_shared>>
        tpu.enqueue_indirect_dma source(%arg11 : memref<128x128xf32, #tpu.memory_space<vmem>>) target(%dma_start3A_65 : memref<10240x128xf32, #tpu.memory_space<vmem_shared>>) offsets(%arg8 : memref<128xi32, #tpu.memory_space<vmem>>) semaphore(%run_scoped3A : memref<!tpu.dma_semaphore, #tpu.memory_space<semaphore_mem>>) {add = true}
        %dma_wait3A_66 = arith.constant 0 : i32
        %dma_wait3A_67 = arith.constant 0 : i32
        %dma_wait3A_68 = tpu.memref_slice %arg13[%dma_wait3A_66, %dma_wait3A_67] : memref<10240x128xf32, #tpu.memory_space<vmem_shared>> -> memref<10240x128xf32, #tpu.memory_space<vmem_shared>>
        tpu.wait_indirect_dma semaphore(%run_scoped3A : memref<!tpu.dma_semaphore, #tpu.memory_space<semaphore_mem>>) src(%arg11 : memref<128x128xf32, #tpu.memory_space<vmem>>) dst(%dma_wait3A_68 : memref<10240x128xf32, #tpu.memory_space<vmem_shared>>)
        tpu.yield
      }) : () -> ()
    }
    %scan3A_24 = arith.constant 160 : i32
    %barrier3A_25 = arith.constant 0 : index
    tpu.barrier barrier_id(%barrier3A_25)
    %lt3A = arith.constant 15 : i32
    %lt3A_26 = arith.cmpi slt, %arg1, %lt3A : i32
    %convert_element_type3A = arith.extui %lt3A_26 : i1 to i32
    %cond3A = arith.constant 0 : i32
    %cond3A_27 = arith.cmpi ne, %convert_element_type3A, %cond3A : i32
    scf.if %cond3A_27 {
      %mul3A_32 = arith.constant 632 : i32
      %mul3A_33 = arith.muli %arg1, %mul3A_32 : i32
      %mul3A_34 = arith.constant 632 : i32
      %mul3A_35 = arith.muli %arg1, %mul3A_34 : i32
      "tpu.region"() ({
        %run_scoped3A = tpu.sem_alloc : memref<!tpu.dma_semaphore, #tpu.memory_space<semaphore_mem>>
        %dma_start3A = arith.constant 0 : i32
        %dma_start3A_36 = arith.constant 0 : i32
        %dma_start3A_37 = tpu.memref_slice %arg6[%arg0, %dma_start3A, %dma_start3A_36] : memref<2x10000x128xf32, #tpu.memory_space<hbm>> -> memref<1x10000x128xf32, #tpu.memory_space<hbm>>
        %dma_start3A_38 = tpu.memref_squeeze %dma_start3A_37 : memref<1x10000x128xf32, #tpu.memory_space<hbm>> -> memref<10000x128xf32, #tpu.memory_space<hbm>>
        %dma_start3A_39 = arith.constant 0 : i32
        %dma_start3A_40 = tpu.memref_slice %dma_start3A_38[%mul3A_35, %dma_start3A_39] : memref<10000x128xf32, #tpu.memory_space<hbm>> -> memref<632x128xf32, #tpu.memory_space<hbm>>
        %dma_start3A_41 = arith.constant 0 : i32
        %dma_start3A_42 = tpu.memref_slice %arg13[%mul3A_33, %dma_start3A_41] : memref<10240x128xf32, #tpu.memory_space<vmem_shared>> -> memref<632x128xf32, #tpu.memory_space<vmem_shared>>
        tpu.enqueue_dma source(%dma_start3A_42 : memref<632x128xf32, #tpu.memory_space<vmem_shared>>) target(%dma_start3A_40 : memref<632x128xf32, #tpu.memory_space<hbm>>) target_semaphore(%run_scoped3A : memref<!tpu.dma_semaphore, #tpu.memory_space<semaphore_mem>>)
        %dma_wait3A = arith.constant 0 : i32
        %dma_wait3A_43 = arith.constant 0 : i32
        %dma_wait3A_44 = tpu.memref_slice %arg6[%arg0, %dma_wait3A, %dma_wait3A_43] : memref<2x10000x128xf32, #tpu.memory_space<hbm>> -> memref<1x10000x128xf32, #tpu.memory_space<hbm>>
        %dma_wait3A_45 = tpu.memref_squeeze %dma_wait3A_44 : memref<1x10000x128xf32, #tpu.memory_space<hbm>> -> memref<10000x128xf32, #tpu.memory_space<hbm>>
        %dma_wait3A_46 = arith.constant 0 : i32
        %dma_wait3A_47 = tpu.memref_slice %dma_wait3A_45[%mul3A_35, %dma_wait3A_46] : memref<10000x128xf32, #tpu.memory_space<hbm>> -> memref<632x128xf32, #tpu.memory_space<hbm>>
        %dma_wait3A_48 = arith.constant 0 : i32
        %dma_wait3A_49 = tpu.memref_slice %arg13[%mul3A_33, %dma_wait3A_48] : memref<10240x128xf32, #tpu.memory_space<vmem_shared>> -> memref<632x128xf32, #tpu.memory_space<vmem_shared>>
        tpu.wait_dma2 semaphore(%run_scoped3A : memref<!tpu.dma_semaphore, #tpu.memory_space<semaphore_mem>>) src(%dma_wait3A_49 : memref<632x128xf32, #tpu.memory_space<vmem_shared>>) dst(%dma_wait3A_47 : memref<632x128xf32, #tpu.memory_space<hbm>>)
        tpu.yield
      }) : () -> ()
    } else {
    }
    %eq3A = arith.constant 15 : i32
    %eq3A_28 = arith.cmpi eq, %arg1, %eq3A : i32
    %convert_element_type3A_29 = arith.extui %eq3A_28 : i1 to i32
    %cond3A_30 = arith.constant 0 : i32
    %cond3A_31 = arith.cmpi ne, %convert_element_type3A_29, %cond3A_30 : i32
    scf.if %cond3A_31 {
      "tpu.region"() ({
        %run_scoped3A = tpu.sem_alloc : memref<!tpu.dma_semaphore, #tpu.memory_space<semaphore_mem>>
        %dma_start3A = arith.constant 0 : i32
        %dma_start3A_32 = arith.constant 0 : i32
        %dma_start3A_33 = tpu.memref_slice %arg6[%arg0, %dma_start3A, %dma_start3A_32] : memref<2x10000x128xf32, #tpu.memory_space<hbm>> -> memref<1x10000x128xf32, #tpu.memory_space<hbm>>
        %dma_start3A_34 = tpu.memref_squeeze %dma_start3A_33 : memref<1x10000x128xf32, #tpu.memory_space<hbm>> -> memref<10000x128xf32, #tpu.memory_space<hbm>>
        %dma_start3A_35 = arith.constant 9480 : i32
        %dma_start3A_36 = arith.constant 0 : i32
        %dma_start3A_37 = tpu.memref_slice %dma_start3A_34[%dma_start3A_35, %dma_start3A_36] : memref<10000x128xf32, #tpu.memory_space<hbm>> -> memref<520x128xf32, #tpu.memory_space<hbm>>
        %dma_start3A_38 = arith.constant 9480 : i32
        %dma_start3A_39 = arith.constant 0 : i32
        %dma_start3A_40 = tpu.memref_slice %arg13[%dma_start3A_38, %dma_start3A_39] : memref<10240x128xf32, #tpu.memory_space<vmem_shared>> -> memref<520x128xf32, #tpu.memory_space<vmem_shared>>
        tpu.enqueue_dma source(%dma_start3A_40 : memref<520x128xf32, #tpu.memory_space<vmem_shared>>) target(%dma_start3A_37 : memref<520x128xf32, #tpu.memory_space<hbm>>) target_semaphore(%run_scoped3A : memref<!tpu.dma_semaphore, #tpu.memory_space<semaphore_mem>>)
        %dma_wait3A = arith.constant 0 : i32
        %dma_wait3A_41 = arith.constant 0 : i32
        %dma_wait3A_42 = tpu.memref_slice %arg6[%arg0, %dma_wait3A, %dma_wait3A_41] : memref<2x10000x128xf32, #tpu.memory_space<hbm>> -> memref<1x10000x128xf32, #tpu.memory_space<hbm>>
        %dma_wait3A_43 = tpu.memref_squeeze %dma_wait3A_42 : memref<1x10000x128xf32, #tpu.memory_space<hbm>> -> memref<10000x128xf32, #tpu.memory_space<hbm>>
        %dma_wait3A_44 = arith.constant 9480 : i32
        %dma_wait3A_45 = arith.constant 0 : i32
        %dma_wait3A_46 = tpu.memref_slice %dma_wait3A_43[%dma_wait3A_44, %dma_wait3A_45] : memref<10000x128xf32, #tpu.memory_space<hbm>> -> memref<520x128xf32, #tpu.memory_space<hbm>>
        %dma_wait3A_47 = arith.constant 9480 : i32
        %dma_wait3A_48 = arith.constant 0 : i32
        %dma_wait3A_49 = tpu.memref_slice %arg13[%dma_wait3A_47, %dma_wait3A_48] : memref<10240x128xf32, #tpu.memory_space<vmem_shared>> -> memref<520x128xf32, #tpu.memory_space<vmem_shared>>
        tpu.wait_dma2 semaphore(%run_scoped3A : memref<!tpu.dma_semaphore, #tpu.memory_space<semaphore_mem>>) src(%dma_wait3A_49 : memref<520x128xf32, #tpu.memory_space<vmem_shared>>) dst(%dma_wait3A_46 : memref<520x128xf32, #tpu.memory_space<hbm>>)
        tpu.yield
      }) : () -> ()
    } else {
    }
    return
  }
}

module attributes {stable_mosaic.version = 14 : i64} {
  func.func @_edge_proj_body(%arg0: i32, %arg1: memref<2048x32xf32, #tpu.memory_space<vmem>>, %arg2: memref<2x32x128xf32, #tpu.memory_space<vmem>>, %arg3: memref<2x1x128xf32, #tpu.memory_space<vmem>>, %arg4: memref<2x2048x128xf32, #tpu.memory_space<vmem>>) attributes {dimension_semantics = [#tpu.dimension_semantics<arbitrary>], iteration_bounds = array<i64: 80>, scalar_prefetch = 0 : i64, scratch_operands = 0 : i64, tpu.core_type = #tpu.core_type<tc>, window_params = [{transform_indices = @transform_0, window_bounds = array<i64: 2048, 32>}, {pipeline_mode = #tpu.pipeline_mode<synchronous>, transform_indices = @transform_1, window_bounds = array<i64: 2, 32, 128>}, {pipeline_mode = #tpu.pipeline_mode<synchronous>, transform_indices = @transform_2, window_bounds = array<i64: 2, 1, 128>}, {transform_indices = @transform_3, window_bounds = array<i64: 2, 2048, 128>}]} {
    %get3A = arith.constant 0 : index
    %get3A_0 = arith.constant 0 : index
    %get3A_1 = vector.load %arg1[%get3A, %get3A_0] : memref<2048x32xf32, #tpu.memory_space<vmem>>, vector<2048x32xf32>
    %get3A_2 = arith.constant 0 : index
    %get3A_3 = arith.constant 0 : index
    %get3A_4 = arith.constant 0 : index
    %get3A_5 = vector.load %arg2[%get3A_2, %get3A_3, %get3A_4] : memref<2x32x128xf32, #tpu.memory_space<vmem>>, vector<1x32x128xf32>
    %get3A_6 = vector.shape_cast %get3A_5 : vector<1x32x128xf32> to vector<32x128xf32>
    %dot_general3A = arith.constant dense<0.000000e+00> : vector<2048x128xf32>
    %dot_general3A_7 = tpu.matmul %get3A_1, %get3A_6, %dot_general3A {dimension_numbers = #tpu.dot_dimension_numbers<[1], [0], [0], [1], [0, 0, 1, 1], [], []>, precision = #tpu.contract_precision<fp32>, transpose_lhs_hint = false} : vector<2048x32xf32>, vector<32x128xf32>, vector<2048x128xf32> -> vector<2048x128xf32>
    %get3A_8 = arith.constant 0 : index
    %get3A_9 = arith.constant 0 : index
    %get3A_10 = arith.constant 0 : index
    %get3A_11 = vector.load %arg3[%get3A_8, %get3A_9, %get3A_10] : memref<2x1x128xf32, #tpu.memory_space<vmem>>, vector<1x1x128xf32>
    %get3A_12 = vector.shape_cast %get3A_11 : vector<1x1x128xf32> to vector<1x128xf32>
    %add3A = vector.broadcast %get3A_12 : vector<1x128xf32> to vector<2048x128xf32>
    %add3A_13 = arith.addf %dot_general3A_7, %add3A : vector<2048x128xf32>
    %swap3A = arith.constant 0 : index
    %swap3A_14 = arith.constant 0 : index
    %swap3A_15 = arith.constant 0 : index
    %swap3A_16 = vector.load %arg4[%swap3A, %swap3A_14, %swap3A_15] : memref<2x2048x128xf32, #tpu.memory_space<vmem>>, vector<1x2048x128xf32>
    %swap3A_17 = vector.shape_cast %swap3A_16 : vector<1x2048x128xf32> to vector<2048x128xf32>
    %swap3A_18 = vector.shape_cast %add3A_13 : vector<2048x128xf32> to vector<1x2048x128xf32>
    tpu.vector_store %arg4[%swap3A, %swap3A_14, %swap3A_15], %swap3A_18 {strides = array<i32>} : memref<2x2048x128xf32, #tpu.memory_space<vmem>>, vector<1x2048x128xf32>,
    %get3A_19 = arith.constant 0 : index
    %get3A_20 = arith.constant 0 : index
    %get3A_21 = vector.load %arg1[%get3A_19, %get3A_20] : memref<2048x32xf32, #tpu.memory_space<vmem>>, vector<2048x32xf32>
    %get3A_22 = arith.constant 1 : index
    %get3A_23 = arith.constant 0 : index
    %get3A_24 = arith.constant 0 : index
    %get3A_25 = vector.load %arg2[%get3A_22, %get3A_23, %get3A_24] : memref<2x32x128xf32, #tpu.memory_space<vmem>>, vector<1x32x128xf32>
    %get3A_26 = vector.shape_cast %get3A_25 : vector<1x32x128xf32> to vector<32x128xf32>
    %dot_general3A_27 = arith.constant dense<0.000000e+00> : vector<2048x128xf32>
    %dot_general3A_28 = tpu.matmul %get3A_21, %get3A_26, %dot_general3A_27 {dimension_numbers = #tpu.dot_dimension_numbers<[1], [0], [0], [1], [0, 0, 1, 1], [], []>, precision = #tpu.contract_precision<fp32>, transpose_lhs_hint = false} : vector<2048x32xf32>, vector<32x128xf32>, vector<2048x128xf32> -> vector<2048x128xf32>
    %get3A_29 = arith.constant 1 : index
    %get3A_30 = arith.constant 0 : index
    %get3A_31 = arith.constant 0 : index
    %get3A_32 = vector.load %arg3[%get3A_29, %get3A_30, %get3A_31] : memref<2x1x128xf32, #tpu.memory_space<vmem>>, vector<1x1x128xf32>
    %get3A_33 = vector.shape_cast %get3A_32 : vector<1x1x128xf32> to vector<1x128xf32>
    %add3A_34 = vector.broadcast %get3A_33 : vector<1x128xf32> to vector<2048x128xf32>
    %add3A_35 = arith.addf %dot_general3A_28, %add3A_34 : vector<2048x128xf32>
    %swap3A_36 = arith.constant 1 : index
    %swap3A_37 = arith.constant 0 : index
    %swap3A_38 = arith.constant 0 : index
    %swap3A_39 = vector.load %arg4[%swap3A_36, %swap3A_37, %swap3A_38] : memref<2x2048x128xf32, #tpu.memory_space<vmem>>, vector<1x2048x128xf32>
    %swap3A_40 = vector.shape_cast %swap3A_39 : vector<1x2048x128xf32> to vector<2048x128xf32>
    %swap3A_41 = vector.shape_cast %add3A_35 : vector<2048x128xf32> to vector<1x2048x128xf32>
    tpu.vector_store %arg4[%swap3A_36, %swap3A_37, %swap3A_38], %swap3A_41 {strides = array<i32>} : memref<2x2048x128xf32, #tpu.memory_space<vmem>>, vector<1x2048x128xf32>,
    return
  }
  func.func @transform_0(%arg0: i32) -> (i32, i32) {
    %c0_i32 = arith.constant 0 : i32
    %c0_i32_0 = arith.constant 0 : i32
    return %arg0, %c0_i32 : i32, i32
  }
  func.func @transform_1(%arg0: i32) -> (i32, i32, i32) {
    %c0_i32 = arith.constant 0 : i32
    %c0_i32_0 = arith.constant 0 : i32
    %c0_i32_1 = arith.constant 0 : i32
    %c0_i32_2 = arith.constant 0 : i32
    return %c0_i32, %c0_i32_0, %c0_i32_1 : i32, i32, i32
  }
  func.func @transform_2(%arg0: i32) -> (i32, i32, i32) {
    %c0_i32 = arith.constant 0 : i32
    %c0_i32_0 = arith.constant 0 : i32
    %c0_i32_1 = arith.constant 0 : i32
    %c0_i32_2 = arith.constant 0 : i32
    return %c0_i32, %c0_i32_0, %c0_i32_1 : i32, i32, i32
  }
  func.func @transform_3(%arg0: i32) -> (i32, i32, i32) {
    %c0_i32 = arith.constant 0 : i32
    %c0_i32_0 = arith.constant 0 : i32
    %c0_i32_1 = arith.constant 0 : i32
    return %c0_i32, %arg0, %c0_i32_0 : i32, i32, i32
  }
}

module attributes {stable_mosaic.version = 14 : i64} {
  func.func @_node_update_body(%arg0: i32, %arg1: memref<2000x128xf32, #tpu.memory_space<vmem>>, %arg2: memref<2x2000x128xf32, #tpu.memory_space<vmem>>, %arg3: memref<128x128xf32, #tpu.memory_space<vmem>>, %arg4: memref<1x128xf32, #tpu.memory_space<vmem>>, %arg5: memref<2000x128xf32, #tpu.memory_space<vmem>>, %arg6: memref<2x2000x128xf32, #tpu.memory_space<vmem>>) attributes {dimension_semantics = [#tpu.dimension_semantics<arbitrary>], iteration_bounds = array<i64: 5>, scalar_prefetch = 0 : i64, scratch_operands = 0 : i64, tpu.core_type = #tpu.core_type<tc>, window_params = [{transform_indices = @transform_0, window_bounds = array<i64: 2000, 128>}, {transform_indices = @transform_1, window_bounds = array<i64: 2, 2000, 128>}, {pipeline_mode = #tpu.pipeline_mode<synchronous>, transform_indices = @transform_2, window_bounds = array<i64: 128, 128>}, {pipeline_mode = #tpu.pipeline_mode<synchronous>, transform_indices = @transform_3, window_bounds = array<i64: 1, 128>}, {transform_indices = @transform_4, window_bounds = array<i64: 2000, 128>}, {transform_indices = @transform_5, window_bounds = array<i64: 2, 2000, 128>}]} {
    %get3A = arith.constant 0 : index
    %get3A_0 = arith.constant 0 : index
    %get3A_1 = vector.load %arg1[%get3A, %get3A_0] : memref<2000x128xf32, #tpu.memory_space<vmem>>, vector<2000x128xf32>
    %get3A_2 = arith.constant 0 : index
    %get3A_3 = arith.constant 0 : index
    %get3A_4 = arith.constant 0 : index
    %get3A_5 = vector.load %arg2[%get3A_2, %get3A_3, %get3A_4] : memref<2x2000x128xf32, #tpu.memory_space<vmem>>, vector<1x2000x128xf32>
    %get3A_6 = vector.shape_cast %get3A_5 : vector<1x2000x128xf32> to vector<2000x128xf32>
    %slice3A = vector.extract_strided_slice %get3A_6 {offsets = [0, 0], sizes = [2000, 64], strides = [1, 1]} : vector<2000x128xf32> to vector<2000x64xf32>
    %get3A_7 = arith.constant 1 : index
    %get3A_8 = arith.constant 0 : index
    %get3A_9 = arith.constant 0 : index
    %get3A_10 = vector.load %arg2[%get3A_7, %get3A_8, %get3A_9] : memref<2x2000x128xf32, #tpu.memory_space<vmem>>, vector<1x2000x128xf32>
    %get3A_11 = vector.shape_cast %get3A_10 : vector<1x2000x128xf32> to vector<2000x128xf32>
    %slice3A_12 = vector.extract_strided_slice %get3A_11 {offsets = [0, 0], sizes = [2000, 64], strides = [1, 1]} : vector<2000x128xf32> to vector<2000x64xf32>
    %concatenate3A = tpu.concatenate %slice3A, %slice3A_12 in 1 : vector<2000x64xf32>, vector<2000x64xf32> -> vector<2000x128xf32>
    %add3A = arith.addf %get3A_1, %concatenate3A : vector<2000x128xf32>
    %get3A_13 = arith.constant 0 : index
    %get3A_14 = arith.constant 0 : index
    %get3A_15 = vector.load %arg3[%get3A_13, %get3A_14] : memref<128x128xf32, #tpu.memory_space<vmem>>, vector<128x128xf32>
    %dot_general3A = arith.constant dense<0.000000e+00> : vector<2000x128xf32>
    %dot_general3A_16 = tpu.matmul %add3A, %get3A_15, %dot_general3A {dimension_numbers = #tpu.dot_dimension_numbers<[1], [0], [0], [1], [0, 0, 1, 1], [], []>, precision = #tpu.contract_precision<fp32>, transpose_lhs_hint = false} : vector<2000x128xf32>, vector<128x128xf32>, vector<2000x128xf32> -> vector<2000x128xf32>
    %get3A_17 = arith.constant 0 : index
    %get3A_18 = arith.constant 0 : index
    %get3A_19 = vector.load %arg4[%get3A_17, %get3A_18] : memref<1x128xf32, #tpu.memory_space<vmem>>, vector<1x128xf32>
    %add3A_20 = vector.broadcast %get3A_19 : vector<1x128xf32> to vector<2000x128xf32>
    %add3A_21 = arith.addf %dot_general3A_16, %add3A_20 : vector<2000x128xf32>
    %max3A = arith.constant 0.000000e+00 : f32
    %max3A_22 = vector.broadcast %max3A : f32 to vector<2000x128xf32>
    %max3A_23 = arith.maximumf %add3A_21, %max3A_22 : vector<2000x128xf32>
    %swap3A = arith.constant 0 : index
    %swap3A_24 = arith.constant 0 : index
    %swap3A_25 = vector.load %arg5[%swap3A, %swap3A_24] : memref<2000x128xf32, #tpu.memory_space<vmem>>, vector<2000x128xf32>
    tpu.vector_store %arg5[%swap3A, %swap3A_24], %max3A_23 {strides = array<i32>} : memref<2000x128xf32, #tpu.memory_space<vmem>>, vector<2000x128xf32>,
    %swap3A_26 = arith.constant 0 : index
    %swap3A_27 = arith.constant 0 : index
    %swap3A_28 = arith.constant 0 : index
    %swap3A_29 = vector.load %arg6[%swap3A_26, %swap3A_27, %swap3A_28] : memref<2x2000x128xf32, #tpu.memory_space<vmem>>, vector<1x2000x128xf32>
    %swap3A_30 = vector.shape_cast %swap3A_29 : vector<1x2000x128xf32> to vector<2000x128xf32>
    %swap3A_31 = vector.shape_cast %max3A_23 : vector<2000x128xf32> to vector<1x2000x128xf32>
    tpu.vector_store %arg6[%swap3A_26, %swap3A_27, %swap3A_28], %swap3A_31 {strides = array<i32>} : memref<2x2000x128xf32, #tpu.memory_space<vmem>>, vector<1x2000x128xf32>,
    %slice3A_32 = vector.extract_strided_slice %max3A_23 {offsets = [0, 64], sizes = [2000, 64], strides = [1, 1]} : vector<2000x128xf32> to vector<2000x64xf32>
    %slice3A_33 = vector.extract_strided_slice %max3A_23 {offsets = [0, 0], sizes = [2000, 64], strides = [1, 1]} : vector<2000x128xf32> to vector<2000x64xf32>
    %concatenate3A_34 = tpu.concatenate %slice3A_32, %slice3A_33 in 1 : vector<2000x64xf32>, vector<2000x64xf32> -> vector<2000x128xf32>
    %swap3A_35 = arith.constant 1 : index
    %swap3A_36 = arith.constant 0 : index
    %swap3A_37 = arith.constant 0 : index
    %swap3A_38 = vector.load %arg6[%swap3A_35, %swap3A_36, %swap3A_37] : memref<2x2000x128xf32, #tpu.memory_space<vmem>>, vector<1x2000x128xf32>
    %swap3A_39 = vector.shape_cast %swap3A_38 : vector<1x2000x128xf32> to vector<2000x128xf32>
    %swap3A_40 = vector.shape_cast %concatenate3A_34 : vector<2000x128xf32> to vector<1x2000x128xf32>
    tpu.vector_store %arg6[%swap3A_35, %swap3A_36, %swap3A_37], %swap3A_40 {strides = array<i32>} : memref<2x2000x128xf32, #tpu.memory_space<vmem>>, vector<1x2000x128xf32>,
    return
  }
  func.func @transform_0(%arg0: i32) -> (i32, i32) {
    %c0_i32 = arith.constant 0 : i32
    %c0_i32_0 = arith.constant 0 : i32
    return %arg0, %c0_i32 : i32, i32
  }
  func.func @transform_1(%arg0: i32) -> (i32, i32, i32) {
    %c0_i32 = arith.constant 0 : i32
    %c0_i32_0 = arith.constant 0 : i32
    %c0_i32_1 = arith.constant 0 : i32
    return %c0_i32, %arg0, %c0_i32_0 : i32, i32, i32
  }
  func.func @transform_2(%arg0: i32) -> (i32, i32) {
    %c0_i32 = arith.constant 0 : i32
    %c0_i32_0 = arith.constant 0 : i32
    %c0_i32_1 = arith.constant 0 : i32
    return %c0_i32, %c0_i32_0 : i32, i32
  }
  func.func @transform_3(%arg0: i32) -> (i32, i32) {
    %c0_i32 = arith.constant 0 : i32
    %c0_i32_0 = arith.constant 0 : i32
    %c0_i32_1 = arith.constant 0 : i32
    return %c0_i32, %c0_i32_0 : i32, i32
  }
  func.func @transform_4(%arg0: i32) -> (i32, i32) {
    %c0_i32 = arith.constant 0 : i32
    %c0_i32_0 = arith.constant 0 : i32
    return %arg0, %c0_i32 : i32, i32
  }
  func.func @transform_5(%arg0: i32) -> (i32, i32, i32) {
    %c0_i32 = arith.constant 0 : i32
    %c0_i32_0 = arith.constant 0 : i32
    %c0_i32_1 = arith.constant 0 : i32
    return %c0_i32, %arg0, %c0_i32_0 : i32, i32, i32
  }
}

module attributes {stable_mosaic.version = 14 : i64} {
  func.func @_final_body(%arg0: i32, %arg1: memref<2000x128xf32, #tpu.memory_space<vmem>>, %arg2: memref<128x128xf32, #tpu.memory_space<vmem>>, %arg3: memref<1x128xf32, #tpu.memory_space<vmem>>, %arg4: memref<2000x128xf32, #tpu.memory_space<vmem>>) attributes {dimension_semantics = [#tpu.dimension_semantics<arbitrary>], iteration_bounds = array<i64: 5>, scalar_prefetch = 0 : i64, scratch_operands = 0 : i64, tpu.core_type = #tpu.core_type<tc>, window_params = [{transform_indices = @transform_0, window_bounds = array<i64: 2000, 128>}, {pipeline_mode = #tpu.pipeline_mode<synchronous>, transform_indices = @transform_1, window_bounds = array<i64: 128, 128>}, {pipeline_mode = #tpu.pipeline_mode<synchronous>, transform_indices = @transform_2, window_bounds = array<i64: 1, 128>}, {transform_indices = @transform_3, window_bounds = array<i64: 2000, 128>}]} {
    %get3A = arith.constant 0 : index
    %get3A_0 = arith.constant 0 : index
    %get3A_1 = vector.load %arg1[%get3A, %get3A_0] : memref<2000x128xf32, #tpu.memory_space<vmem>>, vector<2000x128xf32>
    %get3A_2 = arith.constant 0 : index
    %get3A_3 = arith.constant 0 : index
    %get3A_4 = vector.load %arg2[%get3A_2, %get3A_3] : memref<128x128xf32, #tpu.memory_space<vmem>>, vector<128x128xf32>
    %dot_general3A = arith.constant dense<0.000000e+00> : vector<2000x128xf32>
    %dot_general3A_5 = tpu.matmul %get3A_1, %get3A_4, %dot_general3A {dimension_numbers = #tpu.dot_dimension_numbers<[1], [0], [0], [1], [0, 0, 1, 1], [], []>, precision = #tpu.contract_precision<fp32>, transpose_lhs_hint = false} : vector<2000x128xf32>, vector<128x128xf32>, vector<2000x128xf32> -> vector<2000x128xf32>
    %get3A_6 = arith.constant 0 : index
    %get3A_7 = arith.constant 0 : index
    %get3A_8 = vector.load %arg3[%get3A_6, %get3A_7] : memref<1x128xf32, #tpu.memory_space<vmem>>, vector<1x128xf32>
    %add3A = vector.broadcast %get3A_8 : vector<1x128xf32> to vector<2000x128xf32>
    %add3A_9 = arith.addf %dot_general3A_5, %add3A : vector<2000x128xf32>
    %swap3A = arith.constant 0 : index
    %swap3A_10 = arith.constant 0 : index
    %swap3A_11 = vector.load %arg4[%swap3A, %swap3A_10] : memref<2000x128xf32, #tpu.memory_space<vmem>>, vector<2000x128xf32>
    tpu.vector_store %arg4[%swap3A, %swap3A_10], %add3A_9 {strides = array<i32>} : memref<2000x128xf32, #tpu.memory_space<vmem>>, vector<2000x128xf32>,
    return
  }
  func.func @transform_0(%arg0: i32) -> (i32, i32) {
    %c0_i32 = arith.constant 0 : i32
    %c0_i32_0 = arith.constant 0 : i32
    return %arg0, %c0_i32 : i32, i32
  }
  func.func @transform_1(%arg0: i32) -> (i32, i32) {
    %c0_i32 = arith.constant 0 : i32
    %c0_i32_0 = arith.constant 0 : i32
    %c0_i32_1 = arith.constant 0 : i32
    return %c0_i32, %c0_i32_0 : i32, i32
  }
  func.func @transform_2(%arg0: i32) -> (i32, i32) {
    %c0_i32 = arith.constant 0 : i32
    %c0_i32_0 = arith.constant 0 : i32
    %c0_i32_1 = arith.constant 0 : i32
    return %c0_i32, %c0_i32_0 : i32, i32
  }
  func.func @transform_3(%arg0: i32) -> (i32, i32) {
    %c0_i32 = arith.constant 0 : i32
    %c0_i32_0 = arith.constant 0 : i32
    return %arg0, %c0_i32 : i32, i32
  }
}

</mosaic_0001>

<sc_bundles>
// kernel: closed_call.16.cloned.1.call-start
scs
__scs_entry_jumppad:
0x0: {  	(pc) =	sbr.rel $0x88, $3  }
0x1: {  	(tag) =	ssettag $0x0;
	lr =	simm.s32 $0x1  }
0x2: {  	[smem:$0x3F90] =	sst lr;
	_ =	strace $0xD0000000  }
0x3: {  	_ = 	snop  }
0x4: {  	_ = 	snop  }
0x5: {  	_ = 	snop  }
0x6: {  	_ = 	snop  }
0x7: {  	_ = 	snop  }
__scs_overlays_trampoline_lowered:
0x8: {  	[smem:$0x3F9F] =	sst s0  }
0x9: {  	[smem:$0x3FA0] =	sst s1  }
0xa: {  	[smem:$0x3FA1] =	sst s2  }
0xb: {  	[smem:$0x3FA2] =	sst s3  }
0xc: {  	[smem:$0x3FA3] =	sst s4  }
0xd: {  	[smem:$0x3FA4] =	sst s5  }
0xe: {  	[smem:$0x3FA5] =	sst s6  }
0xf: {  	[smem:$0x3FA6] =	sst s7  }
0x10: {  	[smem:$0x3FA7] =	sst s8  }
0x11: {  	[smem:$0x3FA8] =	sst s9;
	s0 =	simm.s32 @!p0 $0x0  }
0x12: {  	s1 =	sld [smem:$0x3F8E];
	s0 =	simm.s32 @p0 $0x1  }
0x13: {  	[smem:$0x3FA9] =	sst s0;
	s0 =	simm.s32 @!p1 $0x0  }
0x14: {  	s2 =	sld [smem:$0x3F8D];
	s0 =	simm.s32 @p1 $0x1  }
0x15: {  	[smem:$0x3FAA] =	sst s0;
	s0 =	simm.s32 @!p2 $0x0  }
0x16: {  	s3 =	sld [smem:$0x3FDB];
	s0 =	simm.s32 @p2 $0x1  }
0x17: {  	s4 =	simm.s32 $0x1BF5;
	[smem:$0x3FAC] =	sst s0  }
0x18: {  	s0 =	sld [smem:$0x3F8F];
	_ =	swait.ge [sflag:s4], $0x0  }
0x19: {  	s7 =	sld [smem:$0x3F90]  }
0x1a: {  	s8 =	sadd.s32 $0xFFFFE003, lr  }
0x1b: {  	s9 =	sadd.s32 $0xFFFFFEF7, lr;
	s5 =	simm.s32 $0xFFFFFFFF;
	p2 =	slt.u32 s8, $0xFFFFF086  }
0x1c: {  	p1 =	slt.u32 s9, $0xF7A;
	s5 =	simm.s32 @!p2 $0x0  }
0x1d: {  	s5 =	simm.s32 @p1 $0x1;
	p0 =	seq.s32 s7, s2  }
0x1e: {  	s7 =	smul.u32 @!p0 $0xF7A, s2;
	p2 =	seq.s32 @!p0 s5, $0x0  }
0x1f: {  	s9 =	smul.u32 $0xF7A, s1;
	s8 =	simm.s32 @!p0 $0x1BF5;
	p2 =	por !p2, p0  }
0x20: {  	[sflag:s8] =	ssyncset.s32 @!p0 $0xFFFFF086;
	s6 =	sadd.s32 @!p0 s3, s7;
	s7 =	simm.s32 @!p0 $0x108  }
0x21: {  	s3 =	sadd.s32 s3, s9;
	s6 =	sadd.s32 @!p0 $0x88, s6;
	s7 =	simm.s32 @p2 $0x1082  }
0x22: {  	[simem:s7], [sflag:s8] =	dma.local @!p0 [hbm:s6], $0xF7A  }
0x23: {  	s9 =	sor.u32 $0xD0000000, s2;
	s6 =	simm.s32 $0x108;
	_ =	swait.ge @!p0 [sflag:s8], $0x0  }
0x24: {  	s3 =	sadd.s32 $0x88, s3;
	s6 =	simm.s32 @!p1 $0x1082;
	[sflag:s4] =	ssyncset.s32 $0xFFFFF086  }
0x25: {  	[simem:s6], [sflag:s4] =	dma.local [hbm:s3], $0xF7A  }
0x26: {  	[smem:$0x3F90] =	sst s1;
	(tag) =	ssettag s2;
	_ =	strace s9  }
0x27: {  	s1 =	sld [smem:$0x3FA0]  }
0x28: {  	s2 =	sld [smem:$0x3FA1]  }
0x29: {  	s4 =	sld [smem:$0x3FA3]  }
0x2a: {  	p0 =	seq.s32 s5, $0x0;
	s5 =	sld [smem:$0x3FA4]  }
0x2b: {  	s6 =	sld [smem:$0x3FA5]  }
0x2c: {  	s7 =	sld [smem:$0x3FA6]  }
0x2d: {  	s3 =	simm.s32 $0x108;
	s8 =	sld [smem:$0x3FA7]  }
0x2e: {  	s3 =	simm.s32 @!p0 $0x1082;
	s9 =	sld [smem:$0x3FA8]  }
0x2f: {  	lr =	sadd.s32 s0, s3;
	s0 =	sld [smem:$0x3F9F]  }
0x30: {  	s3 =	sld [smem:$0x3FA2]  }
0x31: {  	[smem:$0x3FAB] =	sst s10  }
0x32: {  	s10 =	sld [smem:$0x3FA9];
	_ =	sdelay $0x3  }
0x33: {  	p0 =	seq.s32 s10, $0x1;
	s10 =	sld [smem:$0x3FAB];
	_ =	sdelay $0x3  }
0x34: {  	[smem:$0x3FAB] =	sst s10  }
0x35: {  	s10 =	sld [smem:$0x3FAA];
	_ =	sdelay $0x3  }
0x36: {  	p1 =	seq.s32 s10, $0x1;
	s10 =	sld [smem:$0x3FAB];
	_ =	sdelay $0x3  }
0x37: {  	[smem:$0x3FAB] =	sst s10  }
0x38: {  	s10 =	sld [smem:$0x3FAC]  }
0x39: {  	_ = 	snop;
	(pc) =	sbr.ind lr, $3  }
0x3a: {  	_ = 	snop  }
0x3b: {  	_ = 	snop  }
0x3c: {  	p2 =	seq.s32 s10, $0x1;
	s10 =	sld [smem:$0x3FAB]  }
0x3d: {  	_ =	shalt  }
0x3e: {  	_ =	shalt  }
0x3f: {  	_ =	shalt  }
0x40: {  	_ =	shalt  }
0x41: {  	_ =	shalt  }
0x42: {  	_ =	shalt  }
0x43: {  	_ =	shalt  }
0x44: {  	_ =	shalt  }
0x45: {  	_ =	shalt  }
0x46: {  	_ =	shalt  }
0x47: {  	_ =	shalt  }
0x48: {  	_ =	shalt  }
0x49: {  	_ =	shalt  }
0x4a: {  	_ =	shalt  }
0x4b: {  	_ =	shalt  }
0x4c: {  	_ =	shalt  }
0x4d: {  	_ =	shalt  }
0x4e: {  	_ =	shalt  }
0x4f: {  	_ =	shalt  }
0x50: {  	_ =	shalt  }
0x51: {  	_ =	shalt  }
0x52: {  	_ =	shalt  }
0x53: {  	_ =	shalt  }
0x54: {  	_ =	shalt  }
0x55: {  	_ =	shalt  }
0x56: {  	_ =	shalt  }
0x57: {  	_ =	shalt  }
0x58: {  	_ =	shalt  }
0x59: {  	_ =	shalt  }
0x5a: {  	_ =	shalt  }
0x5b: {  	_ =	shalt  }
0x5c: {  	_ =	shalt  }
0x5d: {  	_ =	shalt  }
0x5e: {  	_ =	shalt  }
0x5f: {  	_ =	shalt  }
0x60: {  	_ =	shalt  }
0x61: {  	_ =	shalt  }
0x62: {  	_ =	shalt  }
0x63: {  	_ =	shalt  }
0x64: {  	_ =	shalt  }
0x65: {  	_ =	shalt  }
0x66: {  	_ =	shalt  }
0x67: {  	_ =	shalt  }
0x68: {  	_ =	shalt  }
0x69: {  	_ =	shalt  }
0x6a: {  	_ =	shalt  }
0x6b: {  	_ =	shalt  }
0x6c: {  	_ =	shalt  }
0x6d: {  	_ =	shalt  }
0x6e: {  	_ =	shalt  }
0x6f: {  	_ =	shalt  }
0x70: {  	_ =	shalt  }
0x71: {  	_ =	shalt  }
0x72: {  	_ =	shalt  }
0x73: {  	_ =	shalt  }
0x74: {  	_ =	shalt  }
0x75: {  	_ =	shalt  }
0x76: {  	_ =	shalt  }
0x77: {  	_ =	shalt  }
0x78: {  	_ =	shalt  }
0x79: {  	_ =	shalt  }
0x7a: {  	_ =	shalt  }
0x7b: {  	_ =	shalt  }
0x7c: {  	_ =	shalt  }
0x7d: {  	_ =	shalt  }
0x7e: {  	_ =	shalt  }
0x7f: {  	_ =	shalt  }
0x80: {  	_ =	shalt  }
0x81: {  	_ =	shalt  }
0x82: {  	_ =	shalt  }
0x83: {  	_ =	shalt  }
0x84: {  	_ =	shalt  }
0x85: {  	_ =	shalt  }
0x86: {  	_ =	shalt  }
0x87: {  	_ =	shalt  }
.Lfunc_end0:
.L_simem_size_0:
called_computation_lowered:
.L_overlay_start_0:
0x88: {  	s2 =	sld [smem:$0x3FD9]  }
0x89: {  	s3 =	sld [smem:$0x3FFE];
	_ =	sdelay $0x1  }
0x8a: {  	s1 =	srdreg.scid  }
0x8b: {  	s0 =	sand.u32 $0x1, s1  }
0x8c: {  	s17 =	sshll.u32 s0, $0xA;
	s2 =	sadd.s32 s3, s2  }
0x8d: {  	s2 =	sadd.s32 s2, s17  }
0x8e: {  	[smem:$0x3FB7] =	sst s2  }
0x8f: {  	_ = 	snop  }
0x90: {  	s2 =	sld [smem:$0x3FD0];
	(tm) =	ssettm $0x1  }
0x91: {  	s18 =	sld [smem:$0x3FFB];
	_ =	sdelay $0x3  }
0x92: {  	_ =	strace s18  }
0x93: {  	s3 =	sld [smem:$0x3FFC];
	_ =	sdelay $0x3  }
0x94: {  	_ =	strace s3  }
0x95: {  	s3 =	sld [smem:$0x3FFD];
	_ =	sdelay $0x3  }
0x96: {  	_ =	strace s3  }
0x97: {  	_ =	strace $0x8FFFFFFF  }
0x98: {  	s19 =	sld [smem:$0x3FDB];
	_ =	sdelay $0x1  }
0x99: {  	s4 =	simm.s32 $_scs_section_size  }
0x9a: {  	s5 =	simm.s32 $_size__tile_overlayer_lowered;
	s6 =	simm.s32 $_tile_overlayer_lowered  }
0x9b: {  	s22 =	simm.s32 $0x1BFF;
	s21 =	sshll.u32 s6, $0x1;
	s3 =	sadd.s32 s4, s19  }
0x9c: {  	s7 =	simm.s32 $0x0;
	s20 =	sshll.u32 s5, $0x1;
	s5 =	sadd.s32 s21, s3  }
0x9d: {  	[timem:s7], [sflag:s22] =	dma.local [hbm:s5], s20  }
0x9e: {  	_ =	swait.ge [sflag:s22], s20  }
0x9f: {  	s4 =	ssub.s32 $0x0, s20;
	[sflag:s22] =	ssyncset.done $0x0  }
0xa0: {  	[sflag:s22] =	ssyncadd.s32 s4;
	_ =	sdelay $0x1  }
0xa1: {  	s23 =	simm.s32 $0x1B8B  }
0xa2: {  	_ =	swait.ge [sflag:s23], $0x1  }
0xa3: {  	[sflag:s23] =	ssyncset.done $0x0  }
0xa4: {  	s25 =	simm.s32 $0x1B8E;
	s24 =	sld [smem:$0x3FFE];
	[sflag:s23] =	ssyncadd.s32 $0xFFFFFFFF  }
0xa5: {  	s26 =	simm.s32 $execute0_lowered;
	[smem:$0x3FD2] =	sst s25  }
0xa6: {  	s5 =	sshll.u32 s26, $0x1;
	_ =	strace $0x80000046;
	[dreg:$0x1] =	wrdreg $0xFFFFFFFF  }
0xa7: {  	s28 =	simm.s32 $_size_execute0_lowered;
	s3 =	sadd.s32 s3, s5;
	[dreg:$0x0] =	wrdreg $0x0  }
0xa8: {  	s5 =	sshll.u32 s28, $0x1;
	[dreg:$0x2] =	wrdreg s3  }
0xa9: {  	[dreg:$0x3] =	wrdreg s5  }
0xaa: {  	[dreg:$0x4] =	wrdreg $0xC0  }
0xab: {  	_ =	task [dreg:s7], $0x5FFFF  }
0xac: {  	[dreg:$0x1] =	wrdreg $0xFFFFFFFF  }
0xad: {  	[dreg:$0x0] =	wrdreg $0x60  }
0xae: {  	[dreg:$0x2] =	wrdreg s24  }
0xaf: {  	[dreg:$0x3] =	wrdreg s2  }
0xb0: {  	[dreg:$0x4] =	wrdreg $0xB1000  }
0xb1: {  	[dreg:$0x5] =	wrdreg $0x9  }
0xb2: {  	_ =	task.clear_ibuf [dreg:s7], $0x6FFFF;
	_ =	strace $0x90000046  }
0xb3: {  	s29 =	simm.s32 $0x9;
	_ =	strace $0x80000048  }
0xb4: {  	_ =	swait.ge [sflag:s29], $0x1  }
0xb5: {  	[sflag:s29] =	ssyncadd.s32 $0xFFFFFFFF  }
0xb6: {  	_ =	strace $0x90000048  }
0xb7: {  	_ =	sfence  }
0xb8: {  	s30 =	sld [smem:$0x0];
	_ =	sdelay $0x2  }
0xb9: {  	s31 =	sshll.u32 s1, $0xD;
	s1 =	sshrl.u32 s1, $0x2  }
0xba: {  	s3 =	sand.u32 $0x4000, s31;
	s1 =	sadd.s32 s1, s30  }
0xbb: {  	s0 =	sor.u32 s3, s0;
	s1 =	sshll.u32 s1, $0x11  }
0xbc: {  	s0 =	sor.u32 s1, s0  }
0xbd: {  	s0 =	sadd.s32 $0x8F2B, s0  }
0xbe: {  	[sflag:s0] =	ssyncadd.remote.s32 $0x1  }
0xbf: {  	_ =	sfence.sel $0xFFFF  }
0xc0: {  	[dreg:$0x0] =	wrdreg $0xFFFFFFFF;
	(pc) =	sbr.abs _section_cstart, $3  }
0xc1: {  	[dreg:$0x1] =	wrdreg $0xFFFFFFFF  }
0xc2: {  	_ =	task.clear_ibuf [dreg:s7], $0x2FFFF;
	_ =	strace $0x9FFFFFFF  }
0xc3: {  	(tm) =	ssettm $0x7FFFFFFF  }
tec
execute0_lowered:
.L_overlay_start_1:
0x0: {  	(tag) =	ssettag $0x1  }
0x1: {  	s0 =	rddreg [dreg:$0x0]  }
0x2: {  	s1 =	rddreg [dreg:$0x1];
	s13 =	stileid.u32  }
0x3: {  	s2 =	rddreg [dreg:$0x2];
	s7 =	smul.u32 $0x50000, s13  }
0x4: {  	s4 =	srdreg.scid;
	s3 =	simm.s32 $0x0;
	s10 =	smul.u32 $0x4F000, s13  }
0x5: {  	s4 =	sand.u32 $0x1, s4;
	[smem:$0x7FF] =	sst s3;
	s9 =	smul.u32 $0x140000, s13  }
0x6: {  	s12 =	sadd.s32 $0x128400, s2;
	p0 =	seq.s32 s13, $0xF;
	s5 =	smul.u32 $0x280000, s4  }
0x7: {  	s6 =	smul.u32 $0x27100, s4;
	_ =	strace $0x80000047;
	s4 =	ssub.s32 $0x2, s4  }
0x8: {  	s14 =	sshrl.u32 s4, $0x1;
	s7 =	sshrl.u32 s7, $0x2;
	s11 =	sshrl.u32 s10, $0x2  }
0x9: {  	s8 =	sadd.s32 s5, s0;
	s5 =	sadd.s32 $0x7B800, s0;
	s4 =	ssub.s32 s4, s14  }
0xa: {  	s0 =	sadd.s32 s6, s0;
	s6 =	sadd.s32 s7, s2;
	s4 =	smax.u32 s4, $0x1  }
0xb: {  	s7 =	smul.u32 $0xA0, s13;
	s15 =	sadd.s32 $0x1000, s6;
	[dreg:$0x4] =	wrdreg s4  }
0xc: {  	s8 =	sadd.s32 $0x307400, s8;
	s16 =	sadd.s32 $0x2000, s6;
	[dreg:$0x5] =	wrdreg s15  }
0xd: {  	s10 =	sadd.s32 $0x2D600, s0;
	s17 =	sadd.s32 $0x3000, s6;
	[dreg:$0x6] =	wrdreg s16  }
0xe: {  	s14 =	sadd.s32 $0x807400, s0;
	s18 =	sadd.s32 $0x4000, s6;
	[dreg:$0x7] =	wrdreg s17  }
0xf: {  	s0 =	sadd.s32 s11, s2;
	s19 =	sadd.s32 $0x5000, s6;
	[dreg:$0x8] =	wrdreg s18  }
0x10: {  	s11 =	smul.u32 $0x2780, s13;
	s20 =	sadd.s32 $0x6000, s6;
	[dreg:$0x9] =	wrdreg s19  }
0x11: {  	s21 =	sadd.s32 $0x7000, s6;
	s22 =	sadd.s32 $0x8000, s6;
	[dreg:$0xa] =	wrdreg s20  }
0x12: {  	s23 =	sadd.s32 $0x9000, s6;
	s24 =	sadd.s32 $0xA000, s6;
	[dreg:$0xb] =	wrdreg s21  }
0x13: {  	s25 =	sadd.s32 $0xB000, s6;
	s28 =	sadd.s32 $0xC000, s6;
	[dreg:$0xc] =	wrdreg s22  }
0x14: {  	s29 =	sadd.s32 $0xD000, s6;
	s30 =	sadd.s32 $0xE000, s6;
	[dreg:$0xd] =	wrdreg s23  }
0x15: {  	s31 =	sadd.s32 $0xF000, s6;
	s13 =	sadd.s32 $0x13000, s6;
	[dreg:$0xe] =	wrdreg s24  }
0x16: {  	s4 =	sshrl.u32 @p0 s12, $0x3;
	s26 =	smov.u32 s14;
	s0 =	sshrl.u32 @!p0 s0, $0x3  }
0x17: {  	[dreg:$0x12] =	wrdreg s25;
	s12 =	sadd.s32 $0x12000, s6;
	s15 =	simm.s32 $0x2  }
0x18: {  	s16 =	simm.s32 $0x80;
	s17 =	simm.s32 $0x100;
	s18 =	simm.s32 $0x2100  }
0x19: {  	s19 =	simm.s32 $0x1;
	s20 =	simm.s32 $0x6100;
	[dreg:$0xf] =	wrdreg s4  }
0x1a: {  	s4 =	sadd.s32 @!p0 s11, s14;
	[dreg:$0x11] =	wrdreg s0;
	s0 =	sadd.s32 $0x10000, s6  }
0x1b: {  	v0 =	vimm.f32 $0.0e+00;
	s14 =	simm.s32 $0xA100;
	[dreg:$0x10] =	wrdreg s4;
	s4 =	sadd.s32 $0x11000, s6  }
.LBB2_1:
0x1c: {  	s21 =	simm.s32 $0x200;
	s11 =	simm.s32 $0x0  }
.LBB2_2:
0x1d: {  	p1 =	sne.s32 s21, $0x3E00;
	[tilespmem:s11+$0xA130] =	vst v0;
	s22 =	smov.u32 s21;
	s21 =	sadd.s32 $0x200, s21  }
.Ltmp0:
0x1e: {  	[tilespmem:s11+$0xA120] =	vst v0;
	(pc) =	sbr.rel @p1 .LBB2_2-.Ltmp0, $3  }
0x1f: {  	[tilespmem:s11+$0xA100] =	vst v0  }
0x20: {  	[tilespmem:s11+$0xA110] =	vst v0;
	_ =	sdelay $0x1  }
0x21: {  	s11 =	sshra.s32 s22, $0x2  }
0x22: {  	[tilespmem:s11+$0xA130] =	vst v0  }
0x23: {  	[tilespmem:s11+$0xA120] =	vst v0  }
0x24: {  	[tilespmem:s11+$0xA100] =	vst v0  }
0x25: {  	[tilespmem:s11+$0xA110] =	vst v0  }
0x26: {  	[spmem:s6] =	stream.linear.scatter [tilespmem:s14], [sflag:$0x2], $0x1000, $0x38;
	[tilespmem:$0x1F100] =	vst v63  }
0x27: {  	_ =	swait.ge [sflag:s15], $0x1000  }
0x28: {  	[sflag:s15] =	ssyncset.done $0x0  }
0x29: {  	s25 =	rddreg [dreg:$0x5];
	[sflag:s15] =	ssyncadd.s32 $0xFFFFF000  }
0x2a: {  	[spmem:s25] =	stream.linear.scatter [tilespmem:s14], [sflag:$0x2], $0x1000, $0x38;
	[tilespmem:$0x1F100] =	vst v63  }
0x2b: {  	_ =	swait.ge [sflag:s15], $0x1000  }
0x2c: {  	[sflag:s15] =	ssyncset.done $0x0  }
0x2d: {  	s21 =	rddreg [dreg:$0x6];
	[sflag:s15] =	ssyncadd.s32 $0xFFFFF000  }
0x2e: {  	[spmem:s21] =	stream.linear.scatter [tilespmem:s14], [sflag:$0x2], $0x1000, $0x38;
	[tilespmem:$0x1F100] =	vst v63  }
0x2f: {  	_ =	swait.ge [sflag:s15], $0x1000  }
0x30: {  	[sflag:s15] =	ssyncset.done $0x0  }
0x31: {  	s22 =	rddreg [dreg:$0x7];
	[sflag:s15] =	ssyncadd.s32 $0xFFFFF000  }
0x32: {  	[spmem:s22] =	stream.linear.scatter [tilespmem:s14], [sflag:$0x2], $0x1000, $0x38;
	[tilespmem:$0x1F100] =	vst v63  }
0x33: {  	_ =	swait.ge [sflag:s15], $0x1000  }
0x34: {  	[sflag:s15] =	ssyncset.done $0x0  }
0x35: {  	s23 =	rddreg [dreg:$0x8];
	[sflag:s15] =	ssyncadd.s32 $0xFFFFF000  }
0x36: {  	[spmem:s23] =	stream.linear.scatter [tilespmem:s14], [sflag:$0x2], $0x1000, $0x38;
	[tilespmem:$0x1F100] =	vst v63  }
0x37: {  	_ =	swait.ge [sflag:s15], $0x1000  }
0x38: {  	[sflag:s15] =	ssyncset.done $0x0  }
0x39: {  	s24 =	rddreg [dreg:$0x9];
	[sflag:s15] =	ssyncadd.s32 $0xFFFFF000  }
0x3a: {  	[spmem:s24] =	stream.linear.scatter [tilespmem:s14], [sflag:$0x2], $0x1000, $0x38;
	[tilespmem:$0x1F100] =	vst v63  }
0x3b: {  	_ =	swait.ge [sflag:s15], $0x1000  }
0x3c: {  	[sflag:s15] =	ssyncset.done $0x0  }
0x3d: {  	s25 =	rddreg [dreg:$0xa];
	[sflag:s15] =	ssyncadd.s32 $0xFFFFF000  }
0x3e: {  	[spmem:s25] =	stream.linear.scatter [tilespmem:s14], [sflag:$0x2], $0x1000, $0x38;
	[tilespmem:$0x1F100] =	vst v63  }
0x3f: {  	_ =	swait.ge [sflag:s15], $0x1000  }
0x40: {  	[sflag:s15] =	ssyncset.done $0x0  }
0x41: {  	s21 =	rddreg [dreg:$0xb];
	[sflag:s15] =	ssyncadd.s32 $0xFFFFF000  }
0x42: {  	[spmem:s21] =	stream.linear.scatter [tilespmem:s14], [sflag:$0x2], $0x1000, $0x38;
	[tilespmem:$0x1F100] =	vst v63  }
0x43: {  	_ =	swait.ge [sflag:s15], $0x1000  }
0x44: {  	[sflag:s15] =	ssyncset.done $0x0  }
0x45: {  	s22 =	rddreg [dreg:$0xc];
	[sflag:s15] =	ssyncadd.s32 $0xFFFFF000  }
0x46: {  	[spmem:s22] =	stream.linear.scatter [tilespmem:s14], [sflag:$0x2], $0x1000, $0x38;
	[tilespmem:$0x1F100] =	vst v63  }
0x47: {  	_ =	swait.ge [sflag:s15], $0x1000  }
0x48: {  	[sflag:s15] =	ssyncset.done $0x0  }
0x49: {  	s23 =	rddreg [dreg:$0xd];
	[sflag:s15] =	ssyncadd.s32 $0xFFFFF000  }
0x4a: {  	[spmem:s23] =	stream.linear.scatter [tilespmem:s14], [sflag:$0x2], $0x1000, $0x38;
	[tilespmem:$0x1F100] =	vst v63  }
0x4b: {  	_ =	swait.ge [sflag:s15], $0x1000  }
0x4c: {  	[sflag:s15] =	ssyncset.done $0x0  }
0x4d: {  	s24 =	rddreg [dreg:$0xe];
	[sflag:s15] =	ssyncadd.s32 $0xFFFFF000  }
0x4e: {  	[spmem:s24] =	stream.linear.scatter [tilespmem:s14], [sflag:$0x2], $0x1000, $0x38;
	[tilespmem:$0x1F100] =	vst v63  }
0x4f: {  	_ =	swait.ge [sflag:s15], $0x1000  }
0x50: {  	[sflag:s15] =	ssyncset.done $0x0  }
0x51: {  	s25 =	rddreg [dreg:$0x12];
	[sflag:s15] =	ssyncadd.s32 $0xFFFFF000  }
0x52: {  	[spmem:s25] =	stream.linear.scatter [tilespmem:s14], [sflag:$0x2], $0x1000, $0x38;
	[tilespmem:$0x1F100] =	vst v63  }
0x53: {  	_ =	swait.ge [sflag:s15], $0x1000  }
0x54: {  	[sflag:s15] =	ssyncset.done $0x0  }
0x55: {  	[sflag:s15] =	ssyncadd.s32 $0xFFFFF000  }
0x56: {  	[spmem:s28] =	stream.linear.scatter [tilespmem:s14], [sflag:$0x2], $0x1000, $0x38;
	[tilespmem:$0x1F100] =	vst v63  }
0x57: {  	_ =	swait.ge [sflag:s15], $0x1000  }
0x58: {  	[sflag:s15] =	ssyncset.done $0x0  }
0x59: {  	[sflag:s15] =	ssyncadd.s32 $0xFFFFF000  }
0x5a: {  	[spmem:s29] =	stream.linear.scatter [tilespmem:s14], [sflag:$0x2], $0x1000, $0x38;
	[tilespmem:$0x1F100] =	vst v63  }
0x5b: {  	_ =	swait.ge [sflag:s15], $0x1000  }
0x5c: {  	[sflag:s15] =	ssyncset.done $0x0  }
0x5d: {  	[sflag:s15] =	ssyncadd.s32 $0xFFFFF000  }
0x5e: {  	[spmem:s30] =	stream.linear.scatter [tilespmem:s14], [sflag:$0x2], $0x1000, $0x38;
	[tilespmem:$0x1F100] =	vst v63  }
0x5f: {  	_ =	swait.ge [sflag:s15], $0x1000  }
0x60: {  	[sflag:s15] =	ssyncset.done $0x0  }
0x61: {  	[sflag:s15] =	ssyncadd.s32 $0xFFFFF000  }
0x62: {  	[spmem:s31] =	stream.linear.scatter [tilespmem:s14], [sflag:$0x2], $0x1000, $0x38;
	[tilespmem:$0x1F100] =	vst v63  }
0x63: {  	_ =	swait.ge [sflag:s15], $0x1000  }
0x64: {  	[sflag:s15] =	ssyncset.done $0x0  }
0x65: {  	[sflag:s15] =	ssyncadd.s32 $0xFFFFF000  }
0x66: {  	[spmem:s0] =	stream.linear.scatter [tilespmem:s14], [sflag:$0x2], $0x1000, $0x38;
	[tilespmem:$0x1F100] =	vst v63  }
0x67: {  	_ =	swait.ge [sflag:s15], $0x1000  }
0x68: {  	[sflag:s15] =	ssyncset.done $0x0  }
0x69: {  	[sflag:s15] =	ssyncadd.s32 $0xFFFFF000  }
0x6a: {  	[spmem:s4] =	stream.linear.scatter [tilespmem:s14], [sflag:$0x2], $0x1000, $0x38;
	[tilespmem:$0x1F100] =	vst v63  }
0x6b: {  	_ =	swait.ge [sflag:s15], $0x1000  }
0x6c: {  	[sflag:s15] =	ssyncset.done $0x0  }
0x6d: {  	[sflag:s15] =	ssyncadd.s32 $0xFFFFF000  }
0x6e: {  	[spmem:s12] =	stream.linear.scatter [tilespmem:s14], [sflag:$0x2], $0x1000, $0x38;
	[tilespmem:$0x1F100] =	vst v63  }
0x6f: {  	_ =	swait.ge [sflag:s15], $0x1000  }
0x70: {  	[sflag:s15] =	ssyncset.done $0x0  }
0x71: {  	[sflag:s15] =	ssyncadd.s32 $0xFFFFF000  }
0x72: {  	[spmem:s13] =	stream.linear.scatter [tilespmem:s14], [sflag:$0x2], $0x1000, $0x38;
	[tilespmem:$0x1F100] =	vst v63  }
0x73: {  	_ =	swait.ge [sflag:s15], $0x1000  }
0x74: {  	[sflag:s15] =	ssyncset.done $0x0  }
0x75: {  	[sflag:s15] =	ssyncadd.s32 $0xFFFFF000  }
0x76: {  	s11 =	simm.s32 $0xFFFF0200;
	s21 =	simm.s32 $0xFFFFC000;
	[bflag:$0x0] =	sbarrier.arrive $0xFFFF  }
.LBB2_4:
0x77: {  	p1 =	sne.s32 s11, $0xFFFFFE00;
	[tilespmem:s21+$0xA170] =	vst v0;
	s22 =	smov.u32 s11;
	s11 =	sadd.s32 $0x200, s11  }
.Ltmp1:
0x78: {  	[tilespmem:s21+$0xA160] =	vst v0;
	(pc) =	sbr.rel @p1 .LBB2_4-.Ltmp1, $3  }
0x79: {  	[tilespmem:s21+$0xA140] =	vst v0  }
0x7a: {  	[tilespmem:s21+$0xA150] =	vst v0;
	_ =	sdelay $0x1  }
0x7b: {  	s21 =	sshra.s32 s22, $0x2  }
0x7c: {  	[tilespmem:s21+$0xA170] =	vst v0  }
0x7d: {  	[tilespmem:s21+$0xA160] =	vst v0  }
0x7e: {  	[tilespmem:s21+$0xA140] =	vst v0  }
0x7f: {  	s11 =	simm.s32 $0x0;
	[tilespmem:s21+$0xA150] =	vst v0;
	s21 =	simm.s32 $0x0  }
.LBB2_6:
0x80: {  	s22 =	sadd.s32 s7, s21  }
0x81: {  	s22 =	sshll.u32 s22, $0x4  }
0x82: {  	s23 =	sadd.s32 s1, s22  }
0x83: {  	[tilespmem:s11], [sflag:$0x2] =	stream.linear.gather [hbm4b:s23+s11], $0x80, $0x38;
	[tilespmem:$0x1F100] =	vst v63  }
0x84: {  	_ =	swait.ge [sflag:s15], $0x80  }
0x85: {  	[sflag:s15] =	ssyncset.done $0x0  }
0x86: {  	s25 =	sshll.u32 s21, $0xD;
	s22 =	sadd.s32 s5, s22;
	[sflag:s15] =	ssyncadd.s32 $0xFFFFFF80  }
0x87: {  	[tilespmem:s16], [sflag:$0x2] =	stream.linear.gather [hbm4b:s22+s11], $0x80, $0x38;
	[tilespmem:$0x1F100] =	vst v63  }
0x88: {  	s22 =	sadd.s32 s9, s25;
	_ =	swait.ge [sflag:s15], $0x80  }
0x89: {  	s22 =	sshrl.u32 s22, $0x3;
	[sflag:s15] =	ssyncset.done $0x0  }
0x8a: {  	s22 =	sadd.s32 s22, s8;
	[sflag:s15] =	ssyncadd.s32 $0xFFFFFF80  }
0x8b: {  	[tilespmem:s17], [sflag:$0x2] =	stream.linear.gather [hbm4b:s22+s11], $0x2000, $0x38;
	[tilespmem:$0x1F100] =	vst v63  }
0x8c: {  	_ =	swait.ge [sflag:s15], $0x2000  }
0x8d: {  	[sflag:s15] =	ssyncset.done $0x0  }
0x8e: {  	[sflag:s15] =	ssyncadd.s32 $0xFFFFE000  }
0x8f: {  	[tilespmem:s18], [sflag:$0x1] =	stream.indirect.gather [hbm4b:s10+s16], $0x80, s11, s16, $0xb8;
	[tilespmem:$0x1F100] =	vst v63  }
0x90: {  	_ =	swait.ge [sflag:s19], $0x4000  }
0x91: {  	[sflag:s19] =	ssyncset.done $0x0  }
0x92: {  	s22 =	simm.s32 $0x0;
	[sflag:s19] =	ssyncadd.s32 $0xFFFFC000  }
0x93: {  	s24 =	simm.s32 $0x400;
	s23 =	simm.s32 $0x140;
	v1 =	vld [tilespmem:s22+$0x2100]  }
.LBB2_7:
0x94: {  	p1 =	sne.s32 s24, $0xFC00;
	v2 =	vld [tilespmem:s23+$0xFFFFFFC0];
	_ =	sdelay $0x4  }
0x95: {  	v1 =	vadd.f32 v2, v1;
	_ =	sdelay $0x1  }
0x96: {  	v1 =	vmax.f32 v1, $0.0e+00  }
0x97: {  	[tilespmem:s22+$0x6100] =	vst v1;
	v1 =	vld [tilespmem:s22+$0x2110]  }
0x98: {  	v2 =	vld [tilespmem:s23+$0xFFFFFFD0];
	_ =	sdelay $0x4  }
0x99: {  	v1 =	vadd.f32 v2, v1;
	_ =	sdelay $0x1  }
0x9a: {  	v1 =	vmax.f32 v1, $0.0e+00  }
0x9b: {  	[tilespmem:s22+$0x6110] =	vst v1;
	v1 =	vld [tilespmem:s22+$0x2120]  }
0x9c: {  	v2 =	vld [tilespmem:s23+$0xFFFFFFE0];
	_ =	sdelay $0x4  }
0x9d: {  	v1 =	vadd.f32 v2, v1;
	_ =	sdelay $0x1  }
0x9e: {  	v1 =	vmax.f32 v1, $0.0e+00  }
0x9f: {  	[tilespmem:s22+$0x6120] =	vst v1;
	v1 =	vld [tilespmem:s22+$0x2130]  }
0xa0: {  	v2 =	vld [tilespmem:s23+$0xFFFFFFF0];
	_ =	sdelay $0x4  }
0xa1: {  	v1 =	vadd.f32 v2, v1;
	_ =	sdelay $0x1  }
0xa2: {  	v1 =	vmax.f32 v1, $0.0e+00  }
0xa3: {  	[tilespmem:s22+$0x6130] =	vst v1;
	v1 =	vld [tilespmem:s22+$0x2180]  }
0xa4: {  	v2 =	vld [tilespmem:s23+$0x0];
	_ =	sdelay $0x4  }
0xa5: {  	v1 =	vadd.f32 v2, v1;
	_ =	sdelay $0x1  }
0xa6: {  	v1 =	vmax.f32 v1, $0.0e+00  }
0xa7: {  	[tilespmem:s22+$0x6180] =	vst v1;
	v1 =	vld [tilespmem:s22+$0x2190]  }
0xa8: {  	v2 =	vld [tilespmem:s23+$0x10];
	_ =	sdelay $0x4  }
0xa9: {  	v1 =	vadd.f32 v2, v1;
	_ =	sdelay $0x1  }
0xaa: {  	v1 =	vmax.f32 v1, $0.0e+00  }
0xab: {  	[tilespmem:s22+$0x6190] =	vst v1;
	v1 =	vld [tilespmem:s22+$0x21A0]  }
0xac: {  	v2 =	vld [tilespmem:s23+$0x20];
	_ =	sdelay $0x4  }
0xad: {  	v1 =	vadd.f32 v2, v1;
	_ =	sdelay $0x1  }
0xae: {  	v1 =	vmax.f32 v1, $0.0e+00  }
0xaf: {  	[tilespmem:s22+$0x61A0] =	vst v1;
	v1 =	vld [tilespmem:s22+$0x21B0]  }
0xb0: {  	v2 =	vld [tilespmem:s23+$0x30];
	_ =	sdelay $0x3  }
.Ltmp2:
0xb1: {  	(pc) =	sbr.rel @p1 .LBB2_7-.Ltmp2, $3  }
0xb2: {  	v1 =	vadd.f32 v2, v1;
	_ =	sdelay $0x1  }
0xb3: {  	s25 =	sshra.s32 s24, $0x2;
	v2 =	vmax.f32 v1, $0.0e+00  }
0xb4: {  	s24 =	sadd.s32 $0x400, s24;
	s23 =	sadd.s32 $0x80, s23;
	v1 =	vld [tilespmem:s25+$0x2100];
	[tilespmem:s22+$0x61B0] =	vst v2;
	s22 =	smov.u32 s25  }
0xb5: {  	v2 =	vld [tilespmem:s23+$0xFFFFFFC0];
	_ =	sdelay $0x4  }
0xb6: {  	v1 =	vadd.f32 v2, v1;
	_ =	sdelay $0x1  }
0xb7: {  	v1 =	vmax.f32 v1, $0.0e+00  }
0xb8: {  	[tilespmem:s22+$0x6100] =	vst v1;
	v1 =	vld [tilespmem:s22+$0x2110]  }
0xb9: {  	v2 =	vld [tilespmem:s23+$0xFFFFFFD0];
	_ =	sdelay $0x4  }
0xba: {  	v1 =	vadd.f32 v2, v1;
	_ =	sdelay $0x1  }
0xbb: {  	v1 =	vmax.f32 v1, $0.0e+00  }
0xbc: {  	[tilespmem:s22+$0x6110] =	vst v1;
	v1 =	vld [tilespmem:s22+$0x2120]  }
0xbd: {  	v2 =	vld [tilespmem:s23+$0xFFFFFFE0];
	_ =	sdelay $0x4  }
0xbe: {  	v1 =	vadd.f32 v2, v1;
	_ =	sdelay $0x1  }
0xbf: {  	v1 =	vmax.f32 v1, $0.0e+00  }
0xc0: {  	[tilespmem:s22+$0x6120] =	vst v1;
	v1 =	vld [tilespmem:s22+$0x2130]  }
0xc1: {  	v2 =	vld [tilespmem:s23+$0xFFFFFFF0];
	_ =	sdelay $0x4  }
0xc2: {  	v1 =	vadd.f32 v2, v1;
	_ =	sdelay $0x1  }
0xc3: {  	v1 =	vmax.f32 v1, $0.0e+00  }
0xc4: {  	[tilespmem:s22+$0x6130] =	vst v1;
	v1 =	vld [tilespmem:s22+$0x2180]  }
0xc5: {  	v2 =	vld [tilespmem:s23+$0x0];
	_ =	sdelay $0x4  }
0xc6: {  	v1 =	vadd.f32 v2, v1;
	_ =	sdelay $0x1  }
0xc7: {  	v1 =	vmax.f32 v1, $0.0e+00  }
0xc8: {  	[tilespmem:s22+$0x6180] =	vst v1;
	v1 =	vld [tilespmem:s22+$0x2190]  }
0xc9: {  	v2 =	vld [tilespmem:s23+$0x10];
	_ =	sdelay $0x4  }
0xca: {  	v1 =	vadd.f32 v2, v1;
	_ =	sdelay $0x1  }
0xcb: {  	v1 =	vmax.f32 v1, $0.0e+00  }
0xcc: {  	[tilespmem:s22+$0x6190] =	vst v1;
	v1 =	vld [tilespmem:s22+$0x21A0]  }
0xcd: {  	v2 =	vld [tilespmem:s23+$0x20];
	_ =	sdelay $0x4  }
0xce: {  	v1 =	vadd.f32 v2, v1;
	_ =	sdelay $0x1  }
0xcf: {  	v1 =	vmax.f32 v1, $0.0e+00  }
0xd0: {  	[tilespmem:s22+$0x61A0] =	vst v1;
	v1 =	vld [tilespmem:s22+$0x21B0]  }
0xd1: {  	v2 =	vld [tilespmem:s23+$0x30];
	_ =	sdelay $0x4  }
0xd2: {  	v1 =	vadd.f32 v2, v1  }
0xd3: {  	s21 =	sadd.s32 $0x1, s21  }
0xd4: {  	p1 =	sne.s32 s21, $0xA0;
	v1 =	vmax.f32 v1, $0.0e+00  }
.Ltmp3:
0xd5: {  	[tilespmem:s22+$0x61B0] =	vst v1;
	(pc) =	sbr.rel @p1 .LBB2_6-.Ltmp3, $4  }
0xd6: {  	[spmem:s2] =	stream.indirect.scatter.add.f32 [tilespmem:s20], [sflag:$0x2], $0x80, s16, s16, $0xb8;
	[tilespmem:$0x1F100] =	vst v63  }
0xd7: {  	_ =	swait.ge [sflag:s15], $0x4000  }
0xd8: {  	[sflag:s15] =	ssyncset.done $0x0  }
0xd9: {  	[sflag:s15] =	ssyncadd.s32 $0xFFFFC000  }
0xda: {  	[bflag:$0x0] =	sbarrier.arrive $0xFFFF  }
0xdb: {  	s11 =	sadd.s32 @p0 $0x25080, s26;
	s21 =	simm.s32 @p0 $0x1FC2;
	s22 =	rddreg [dreg:$0xf]  }
0xdc: {  	[hbm:s11], [sflag:s21] =	dma.local @p0 [spmem:s22], $0x2080  }
0xdd: {  	s11 =	simm.s32 @p0 $0x2  }
0xde: {  	s21 =	stileid.u32;
	_ =	swait.ge @p0 [sflag:s11], $0x2080  }
0xdf: {  	s21 =	sshll.u32 @!p0 s21, $0x6;
	[sflag:s11] =	ssyncset.done @p0 $0x0;
	s22 =	rddreg [dreg:$0x11]  }
0xe0: {  	[sflag:s11] =	ssyncadd.s32 @p0 $0xFFFFDF80;
	s11 =	sor.u32 @!p0 $0x1C02, s21;
	s21 =	rddreg [dreg:$0x10]  }
0xe1: {  	[hbm:s21], [sflag:s11] =	dma.local @!p0 [spmem:s22], $0x2780  }
0xe2: {  	s11 =	simm.s32 @!p0 $0x2  }
0xe3: {  	_ =	swait.ge @!p0 [sflag:s11], $0x2780  }
0xe4: {  	s3 =	sadd.s32 $0x1, s3;
	s25 =	rddreg [dreg:$0x4]  }
0xe5: {  	p1 =	sne.s32 s3, s25  }
.Ltmp4:
0xe6: {  	_ = 	snop;
	(pc) =	sbr.rel @p1 .LBB2_1-.Ltmp4, $3  }
0xe7: {  	_ =	sdelay $0x1  }
0xe8: {  	[sflag:s11] =	ssyncset.done @!p0 $0x0  }
0xe9: {  	[sflag:s11] =	ssyncadd.s32 @!p0 $0xFFFFD880  }
0xea: {  	_ =	sfence.sel $0x180000  }
0xeb: {  	[bflag:$0x0] =	sbarrier.arrive $0xFFFF  }
0xec: {  	_ =	strace $0x90000047  }
0xed: {  	s0 =	stileid.u32;
	[bflag:$0x2] =	sbarrier.arrive $0xFFFF  }
0xee: {  	p0 =	sne.s32 s0, $0x0;
	s0 =	rddreg [dreg:$0x3]  }
0xef: {  	s0 =	sadd.s32 @!p0 $0x100000, s0  }
0xf0: {  	[sflag:s0] =	ssyncadd.tile.s32 @!p0 $0x1;
	_ =	shalt  }
.Lfunc_end2:
_tile_overlayer_lowered:
.L_overlay_start_2:
0xf1: {  	(tag) =	ssettag $0x2  }
0xf2: {  	s0 =	rddreg [dreg:$0x0];
	s2 =	stileid.u32  }
0xf3: {  	s1 =	rddreg [dreg:$0x1];
	p0 =	sne.s32 s2, $0x0  }
0xf4: {  	s3 =	rddreg [dreg:$0x2];
	[bflag:$0x3] =	sbarrier.arrive $0xFFFF;
	s2 =	simm.s32 @!p0 $0x1C02  }
0xf5: {  	[timem:s3], [sflag:s2] =	dma.local @!p0 [hbm:s0], s1  }
0xf6: {  	s0 =	simm.s32 @!p0 $0x2  }
0xf7: {  	_ =	swait.ge @!p0 [sflag:s0], s1  }
0xf8: {  	s1 =	ssub.s32 @!p0 $0x0, s1;
	[sflag:s0] =	ssyncset.done @!p0 $0x0  }
0xf9: {  	[sflag:s0] =	ssyncadd.s32 @!p0 s1  }
0xfa: {  	[bflag:$0x3] =	sbarrier.arrive $0xFFFF  }
0xfb: {  	_ =	shalt  }

</sc_bundles>
